<compile_context>
chip_gen: v7x
topology: tpu7x:2x2x1
jax: 0.10.2.dev20260603
libtpu: 0.0.44.dev20260713+nightly
codegen_flags: <defaults>
</compile_context>

<pallas_src>
import functools
import math

import jax
import jax.numpy as jnp
from jax import lax
from jax.experimental import pallas as pl
from jax.experimental.pallas import tpu as pltpu
from jax.experimental.pallas import tpu_sc as plsc


def _sc_gather(R, V, E, NW):
    rows_w = R // NW
    mesh = plsc.VectorSubcoreMesh(core_axis_name="c", subcore_axis_name="s")

    @functools.partial(
        pl.kernel, mesh=mesh,
        out_type=jax.ShapeDtypeStruct((R, E), jnp.float32),
        scratch_types=[
            pltpu.VMEM((rows_w,), jnp.int32),
            pltpu.VMEM((rows_w, E), jnp.float32),
            pltpu.SemaphoreType.DMA,
        ],
    )
    def k(idx_hbm, tab_hbm, out_hbm, idx_v, rows_v, sem):
        wid = lax.axis_index("s") * 2 + lax.axis_index("c")
        base = wid * rows_w
        pltpu.sync_copy(idx_hbm.at[pl.ds(base, rows_w)], idx_v)
        pltpu.async_copy(tab_hbm.at[idx_v], rows_v, sem).wait()
        pltpu.sync_copy(rows_v, out_hbm.at[pl.ds(base, rows_w)])

    return k


def _tc_stream(emb_ref, sin_ref, out_ref, *, bb, scale):
    n = emb_ref.shape[2] // sin_ref.shape[2]
    e = sin_ref.shape[2]
    for kb in range(bb):
        sin_embed = sin_ref[kb]
        for k in range(n):
            sl = slice(k * e, (k + 1) * e)
            out_ref[kb, :, sl] = emb_ref[kb, :, sl] * scale + sin_embed


def kernel(embeddings, times, sequence_lengths, sinusoidal_table):
    B, T, N, E = embeddings.shape
    S = sinusoidal_table.shape[0]
    R = B * T
    scale = math.sqrt(E)
    bb = 2

    idx = jnp.clip(jnp.round(times * 10.0).astype(jnp.int32), 0, S - 1)
    valid = jnp.arange(T, dtype=jnp.int32)[None, :] < \
        sequence_lengths.astype(jnp.int32)[:, None]
    idx = jnp.where(valid, idx, S).reshape(R)
    tab = jnp.concatenate(
        [sinusoidal_table, jnp.zeros((1, E), jnp.float32)], axis=0)

    sin_rows = _sc_gather(R, S + 1, E, 32)(idx, tab)

    out = pl.pallas_call(
        functools.partial(_tc_stream, bb=bb, scale=scale),
        grid=(B // bb,),
        in_specs=[
            pl.BlockSpec((bb, T, N * E), lambda b: (b, 0, 0)),
            pl.BlockSpec((bb, T, E), lambda b: (b, 0, 0)),
        ],
        out_specs=pl.BlockSpec((bb, T, N * E), lambda b: (b, 0, 0)),
        out_shape=jax.ShapeDtypeStruct((B, T, N * E), jnp.float32),
    )(embeddings.reshape(B, T, N * E), sin_rows.reshape(B, T, E))
    return out.reshape(B, T, N, E)

# --- scband reference (transcript-rebuilt; emitter-appended) ---
"""Pipeline reference for scband-temporal-encoder-23089744183715 (READ-ONLY COPY).

The authoritative reference and input builder live on the scoring server;
editing this copy changes nothing except your own understanding.
"""

import jax, jax.numpy as jnp
import numpy as np
import math

B, T, N, E = 64, 200, 26, 128
MAX_STEPS = 10000

def _sin_table(max_steps, d):
    pos = np.arange(max_steps, dtype=np.float32)[:, None]
    div = np.exp(np.arange(0, d, 2, dtype=np.float32) * (-math.log(10000.0) / d))
    tab = np.zeros((max_steps, d), dtype=np.float32)
    tab[:, 0::2] = np.sin(pos * div)
    tab[:, 1::2] = np.cos(pos * div)
    return jnp.asarray(tab)

def setup_inputs(seed: int = 0):
    key = jax.random.key(seed)
    k1, k2, k3 = jax.random.split(key, 3)
    return {
        "embeddings": jax.random.normal(k1, (B, T, N, E), dtype=jnp.float32),
        "times": jax.random.uniform(k2, (B, T), dtype=jnp.float32),
        "sequence_lengths": jax.random.randint(k3, (B,), 0, T).astype(jnp.int64),
        "sinusoidal_table": _sin_table(MAX_STEPS, E),
    }

def reference(embeddings, times, sequence_lengths, sinusoidal_table):
    Bs, Ts, Ns, Es = embeddings.shape
    valid = (jnp.arange(Ts)[None, :] < sequence_lengths[:, None]).astype(jnp.float32)
    idx = jnp.clip(jnp.round(times * 10.0).astype(jnp.int32), 0, sinusoidal_table.shape[0] - 1)
    sin_embed = jnp.take(sinusoidal_table, idx, axis=0)  # [B, T, E]
    sin_embed = sin_embed[:, :, None, :] * valid[:, :, None, None]
    return embeddings * math.sqrt(Es) + sin_embed

if __name__ == "__main__":
    import jax
    _d = setup_inputs()
    print(jax.jit(kernel)(*tuple(_d.values())))

</pallas_src>

<mosaic_0001>
#map = affine_map<(d0, d1) -> (0)>
#map1 = affine_map<(d0, d1) -> (0, 0)>
module attributes {stable_mosaic.version = 14 : i64} {
  func.func @k(%arg0: i32, %arg1: i32, %arg2: memref<12800xi32, #tpu.memory_space<hbm>>, %arg3: memref<10001x128xf32, #tpu.memory_space<hbm>>, %arg4: memref<12800x128xf32, #tpu.memory_space<hbm>>, %arg5: memref<400xi32, #tpu.memory_space<vmem>>, %arg6: memref<400x128xf32, #tpu.memory_space<vmem>>, %arg7: memref<!tpu.dma_semaphore, #tpu.memory_space<semaphore_mem>>) attributes {dimension_semantics = [#tpu.dimension_semantics<core_parallel>, #tpu.dimension_semantics<subcore_parallel>], iteration_bounds = array<i64: 2, 16>, scalar_prefetch = 0 : i64, scratch_operands = 3 : i64, tpu.core_type = #tpu.core_type<sc_vector_subcore>, window_params = [{transform_indices = #map}, {transform_indices = #map1}, {transform_indices = #map1}]} {
    %mul3A = arith.constant 2 : i32
    %mul3A_0 = arith.muli %arg1, %mul3A : i32
    %add3A = arith.addi %mul3A_0, %arg0 : i32
    %mul3A_1 = arith.constant 400 : i32
    %mul3A_2 = arith.muli %add3A, %mul3A_1 : i32
    "tpu.region"() ({
      %run_scoped3A = tpu.sem_alloc : memref<!tpu.dma_semaphore, #tpu.memory_space<semaphore_mem>>
      %dma_start3A_7 = tpu.memref_slice %arg2[%mul3A_2] : memref<12800xi32, #tpu.memory_space<hbm>> -> memref<400xi32, #tpu.memory_space<hbm>>
      %dma_start3A_8 = tpu.memref_slice %arg2[%mul3A_2] : memref<12800xi32, #tpu.memory_space<hbm>> -> memref<400xi32, #tpu.memory_space<hbm>>
      tpu.enqueue_dma source(%dma_start3A_8 : memref<400xi32, #tpu.memory_space<hbm>>) target(%arg5 : memref<400xi32, #tpu.memory_space<vmem>>) target_semaphore(%run_scoped3A : memref<!tpu.dma_semaphore, #tpu.memory_space<semaphore_mem>>)
      %dma_wait3A_9 = tpu.memref_slice %arg2[%mul3A_2] : memref<12800xi32, #tpu.memory_space<hbm>> -> memref<400xi32, #tpu.memory_space<hbm>>
      %dma_wait3A_10 = tpu.memref_slice %arg2[%mul3A_2] : memref<12800xi32, #tpu.memory_space<hbm>> -> memref<400xi32, #tpu.memory_space<hbm>>
      tpu.wait_dma2 semaphore(%run_scoped3A : memref<!tpu.dma_semaphore, #tpu.memory_space<semaphore_mem>>) src(%dma_wait3A_10 : memref<400xi32, #tpu.memory_space<hbm>>) dst(%arg5 : memref<400xi32, #tpu.memory_space<vmem>>)
      tpu.yield
    }) : () -> ()
    %dma_start3A = arith.constant 0 : i32
    %dma_start3A_3 = arith.constant 0 : i32
    %dma_start3A_4 = tpu.memref_slice %arg3[%dma_start3A, %dma_start3A_3] : memref<10001x128xf32, #tpu.memory_space<hbm>> -> memref<10001x128xf32, #tpu.memory_space<hbm>>
    tpu.enqueue_indirect_dma source(%dma_start3A_4 : memref<10001x128xf32, #tpu.memory_space<hbm>>) target(%arg6 : memref<400x128xf32, #tpu.memory_space<vmem>>) offsets(%arg5 : memref<400xi32, #tpu.memory_space<vmem>>) semaphore(%arg7 : memref<!tpu.dma_semaphore, #tpu.memory_space<semaphore_mem>>)
    %dma_wait3A = arith.constant 0 : i32
    %dma_wait3A_5 = arith.constant 0 : i32
    %dma_wait3A_6 = tpu.memref_slice %arg3[%dma_wait3A, %dma_wait3A_5] : memref<10001x128xf32, #tpu.memory_space<hbm>> -> memref<10001x128xf32, #tpu.memory_space<hbm>>
    tpu.wait_indirect_dma semaphore(%arg7 : memref<!tpu.dma_semaphore, #tpu.memory_space<semaphore_mem>>) src(%dma_wait3A_6 : memref<10001x128xf32, #tpu.memory_space<hbm>>) dst(%arg6 : memref<400x128xf32, #tpu.memory_space<vmem>>)
    "tpu.region"() ({
      %run_scoped3A = tpu.sem_alloc : memref<!tpu.dma_semaphore, #tpu.memory_space<semaphore_mem>>
      %dma_start3A_7 = arith.constant 0 : i32
      %dma_start3A_8 = tpu.memref_slice %arg4[%mul3A_2, %dma_start3A_7] : memref<12800x128xf32, #tpu.memory_space<hbm>> -> memref<400x128xf32, #tpu.memory_space<hbm>>
      %dma_start3A_9 = arith.constant 0 : i32
      %dma_start3A_10 = tpu.memref_slice %arg4[%mul3A_2, %dma_start3A_9] : memref<12800x128xf32, #tpu.memory_space<hbm>> -> memref<400x128xf32, #tpu.memory_space<hbm>>
      tpu.enqueue_dma source(%arg6 : memref<400x128xf32, #tpu.memory_space<vmem>>) target(%dma_start3A_10 : memref<400x128xf32, #tpu.memory_space<hbm>>) target_semaphore(%run_scoped3A : memref<!tpu.dma_semaphore, #tpu.memory_space<semaphore_mem>>)
      %dma_wait3A_11 = arith.constant 0 : i32
      %dma_wait3A_12 = tpu.memref_slice %arg4[%mul3A_2, %dma_wait3A_11] : memref<12800x128xf32, #tpu.memory_space<hbm>> -> memref<400x128xf32, #tpu.memory_space<hbm>>
      %dma_wait3A_13 = arith.constant 0 : i32
      %dma_wait3A_14 = tpu.memref_slice %arg4[%mul3A_2, %dma_wait3A_13] : memref<12800x128xf32, #tpu.memory_space<hbm>> -> memref<400x128xf32, #tpu.memory_space<hbm>>
      tpu.wait_dma2 semaphore(%run_scoped3A : memref<!tpu.dma_semaphore, #tpu.memory_space<semaphore_mem>>) src(%arg6 : memref<400x128xf32, #tpu.memory_space<vmem>>) dst(%dma_wait3A_14 : memref<400x128xf32, #tpu.memory_space<hbm>>)
      tpu.yield
    }) : () -> ()
    return
  }
}

module attributes {stable_mosaic.version = 14 : i64} {
  func.func @_tc_stream(%arg0: i32, %arg1: memref<2x200x3328xf32, #tpu.memory_space<vmem>>, %arg2: memref<2x200x128xf32, #tpu.memory_space<vmem>>, %arg3: memref<2x200x3328xf32, #tpu.memory_space<vmem>>) attributes {dimension_semantics = [#tpu.dimension_semantics<arbitrary>], iteration_bounds = array<i64: 32>, scalar_prefetch = 0 : i64, scratch_operands = 0 : i64, tpu.core_type = #tpu.core_type<tc>, window_params = [{transform_indices = @transform_0, window_bounds = array<i64: 2, 200, 3328>}, {transform_indices = @transform_1, window_bounds = array<i64: 2, 200, 128>}, {transform_indices = @transform_2, window_bounds = array<i64: 2, 200, 3328>}]} {
    %get3A = arith.constant 0 : index
    %get3A_0 = arith.constant 0 : index
    %get3A_1 = arith.constant 0 : index
    %get3A_2 = vector.load %arg2[%get3A, %get3A_0, %get3A_1] : memref<2x200x128xf32, #tpu.memory_space<vmem>>, vector<1x200x128xf32>
    %get3A_3 = vector.shape_cast %get3A_2 : vector<1x200x128xf32> to vector<200x128xf32>
    %get3A_4 = arith.constant 0 : index
    %get3A_5 = arith.constant 0 : index
    %get3A_6 = arith.constant 0 : index
    %get3A_7 = vector.load %arg1[%get3A_4, %get3A_5, %get3A_6] : memref<2x200x3328xf32, #tpu.memory_space<vmem>>, vector<1x200x128xf32>
    %get3A_8 = vector.shape_cast %get3A_7 : vector<1x200x128xf32> to vector<200x128xf32>
    %mul3A = arith.constant 11.3137083 : f32
    %mul3A_9 = vector.broadcast %mul3A : f32 to vector<200x128xf32>
    %mul3A_10 = arith.mulf %get3A_8, %mul3A_9 : vector<200x128xf32>
    %add3A = arith.addf %mul3A_10, %get3A_3 : vector<200x128xf32>
    %swap3A = arith.constant 0 : index
    %swap3A_11 = arith.constant 0 : index
    %swap3A_12 = arith.constant 0 : index
    %swap3A_13 = vector.load %arg3[%swap3A, %swap3A_11, %swap3A_12] : memref<2x200x3328xf32, #tpu.memory_space<vmem>>, vector<1x200x128xf32>
    %swap3A_14 = vector.shape_cast %swap3A_13 : vector<1x200x128xf32> to vector<200x128xf32>
    %swap3A_15 = vector.shape_cast %add3A : vector<200x128xf32> to vector<1x200x128xf32>
    tpu.vector_store %arg3[%swap3A, %swap3A_11, %swap3A_12], %swap3A_15 {strides = array<i32>} : memref<2x200x3328xf32, #tpu.memory_space<vmem>>, vector<1x200x128xf32>,
    %get3A_16 = arith.constant 0 : index
    %get3A_17 = arith.constant 0 : index
    %get3A_18 = arith.constant 128 : index
    %get3A_19 = vector.load %arg1[%get3A_16, %get3A_17, %get3A_18] : memref<2x200x3328xf32, #tpu.memory_space<vmem>>, vector<1x200x128xf32>
    %get3A_20 = vector.shape_cast %get3A_19 : vector<1x200x128xf32> to vector<200x128xf32>
    %mul3A_21 = arith.constant 11.3137083 : f32
    %mul3A_22 = vector.broadcast %mul3A_21 : f32 to vector<200x128xf32>
    %mul3A_23 = arith.mulf %get3A_20, %mul3A_22 : vector<200x128xf32>
    %add3A_24 = arith.addf %mul3A_23, %get3A_3 : vector<200x128xf32>
    %swap3A_25 = arith.constant 0 : index
    %swap3A_26 = arith.constant 0 : index
    %swap3A_27 = arith.constant 128 : index
    %swap3A_28 = vector.load %arg3[%swap3A_25, %swap3A_26, %swap3A_27] : memref<2x200x3328xf32, #tpu.memory_space<vmem>>, vector<1x200x128xf32>
    %swap3A_29 = vector.shape_cast %swap3A_28 : vector<1x200x128xf32> to vector<200x128xf32>
    %swap3A_30 = vector.shape_cast %add3A_24 : vector<200x128xf32> to vector<1x200x128xf32>
    tpu.vector_store %arg3[%swap3A_25, %swap3A_26, %swap3A_27], %swap3A_30 {strides = array<i32>} : memref<2x200x3328xf32, #tpu.memory_space<vmem>>, vector<1x200x128xf32>,
    %get3A_31 = arith.constant 0 : index
    %get3A_32 = arith.constant 0 : index
    %get3A_33 = arith.constant 256 : index
    %get3A_34 = vector.load %arg1[%get3A_31, %get3A_32, %get3A_33] : memref<2x200x3328xf32, #tpu.memory_space<vmem>>, vector<1x200x128xf32>
    %get3A_35 = vector.shape_cast %get3A_34 : vector<1x200x128xf32> to vector<200x128xf32>
    %mul3A_36 = arith.constant 11.3137083 : f32
    %mul3A_37 = vector.broadcast %mul3A_36 : f32 to vector<200x128xf32>
    %mul3A_38 = arith.mulf %get3A_35, %mul3A_37 : vector<200x128xf32>
    %add3A_39 = arith.addf %mul3A_38, %get3A_3 : vector<200x128xf32>
    %swap3A_40 = arith.constant 0 : index
    %swap3A_41 = arith.constant 0 : index
    %swap3A_42 = arith.constant 256 : index
    %swap3A_43 = vector.load %arg3[%swap3A_40, %swap3A_41, %swap3A_42] : memref<2x200x3328xf32, #tpu.memory_space<vmem>>, vector<1x200x128xf32>
    %swap3A_44 = vector.shape_cast %swap3A_43 : vector<1x200x128xf32> to vector<200x128xf32>
    %swap3A_45 = vector.shape_cast %add3A_39 : vector<200x128xf32> to vector<1x200x128xf32>
    tpu.vector_store %arg3[%swap3A_40, %swap3A_41, %swap3A_42], %swap3A_45 {strides = array<i32>} : memref<2x200x3328xf32, #tpu.memory_space<vmem>>, vector<1x200x128xf32>,
    %get3A_46 = arith.constant 0 : index
    %get3A_47 = arith.constant 0 : index
    %get3A_48 = arith.constant 384 : index
    %get3A_49 = vector.load %arg1[%get3A_46, %get3A_47, %get3A_48] : memref<2x200x3328xf32, #tpu.memory_space<vmem>>, vector<1x200x128xf32>
    %get3A_50 = vector.shape_cast %get3A_49 : vector<1x200x128xf32> to vector<200x128xf32>
    %mul3A_51 = arith.constant 11.3137083 : f32
    %mul3A_52 = vector.broadcast %mul3A_51 : f32 to vector<200x128xf32>
    %mul3A_53 = arith.mulf %get3A_50, %mul3A_52 : vector<200x128xf32>
    %add3A_54 = arith.addf %mul3A_53, %get3A_3 : vector<200x128xf32>
    %swap3A_55 = arith.constant 0 : index
    %swap3A_56 = arith.constant 0 : index
    %swap3A_57 = arith.constant 384 : index
    %swap3A_58 = vector.load %arg3[%swap3A_55, %swap3A_56, %swap3A_57] : memref<2x200x3328xf32, #tpu.memory_space<vmem>>, vector<1x200x128xf32>
    %swap3A_59 = vector.shape_cast %swap3A_58 : vector<1x200x128xf32> to vector<200x128xf32>
    %swap3A_60 = vector.shape_cast %add3A_54 : vector<200x128xf32> to vector<1x200x128xf32>
    tpu.vector_store %arg3[%swap3A_55, %swap3A_56, %swap3A_57], %swap3A_60 {strides = array<i32>} : memref<2x200x3328xf32, #tpu.memory_space<vmem>>, vector<1x200x128xf32>,
    %get3A_61 = arith.constant 0 : index
    %get3A_62 = arith.constant 0 : index
    %get3A_63 = arith.constant 512 : index
    %get3A_64 = vector.load %arg1[%get3A_61, %get3A_62, %get3A_63] : memref<2x200x3328xf32, #tpu.memory_space<vmem>>, vector<1x200x128xf32>
    %get3A_65 = vector.shape_cast %get3A_64 : vector<1x200x128xf32> to vector<200x128xf32>
    %mul3A_66 = arith.constant 11.3137083 : f32
    %mul3A_67 = vector.broadcast %mul3A_66 : f32 to vector<200x128xf32>
    %mul3A_68 = arith.mulf %get3A_65, %mul3A_67 : vector<200x128xf32>
    %add3A_69 = arith.addf %mul3A_68, %get3A_3 : vector<200x128xf32>
    %swap3A_70 = arith.constant 0 : index
    %swap3A_71 = arith.constant 0 : index
    %swap3A_72 = arith.constant 512 : index
    %swap3A_73 = vector.load %arg3[%swap3A_70, %swap3A_71, %swap3A_72] : memref<2x200x3328xf32, #tpu.memory_space<vmem>>, vector<1x200x128xf32>
    %swap3A_74 = vector.shape_cast %swap3A_73 : vector<1x200x128xf32> to vector<200x128xf32>
    %swap3A_75 = vector.shape_cast %add3A_69 : vector<200x128xf32> to vector<1x200x128xf32>
    tpu.vector_store %arg3[%swap3A_70, %swap3A_71, %swap3A_72], %swap3A_75 {strides = array<i32>} : memref<2x200x3328xf32, #tpu.memory_space<vmem>>, vector<1x200x128xf32>,
    %get3A_76 = arith.constant 0 : index
    %get3A_77 = arith.constant 0 : index
    %get3A_78 = arith.constant 640 : index
    %get3A_79 = vector.load %arg1[%get3A_76, %get3A_77, %get3A_78] : memref<2x200x3328xf32, #tpu.memory_space<vmem>>, vector<1x200x128xf32>
    %get3A_80 = vector.shape_cast %get3A_79 : vector<1x200x128xf32> to vector<200x128xf32>
    %mul3A_81 = arith.constant 11.3137083 : f32
    %mul3A_82 = vector.broadcast %mul3A_81 : f32 to vector<200x128xf32>
    %mul3A_83 = arith.mulf %get3A_80, %mul3A_82 : vector<200x128xf32>
    %add3A_84 = arith.addf %mul3A_83, %get3A_3 : vector<200x128xf32>
    %swap3A_85 = arith.constant 0 : index
    %swap3A_86 = arith.constant 0 : index
    %swap3A_87 = arith.constant 640 : index
    %swap3A_88 = vector.load %arg3[%swap3A_85, %swap3A_86, %swap3A_87] : memref<2x200x3328xf32, #tpu.memory_space<vmem>>, vector<1x200x128xf32>
    %swap3A_89 = vector.shape_cast %swap3A_88 : vector<1x200x128xf32> to vector<200x128xf32>
    %swap3A_90 = vector.shape_cast %add3A_84 : vector<200x128xf32> to vector<1x200x128xf32>
    tpu.vector_store %arg3[%swap3A_85, %swap3A_86, %swap3A_87], %swap3A_90 {strides = array<i32>} : memref<2x200x3328xf32, #tpu.memory_space<vmem>>, vector<1x200x128xf32>,
    %get3A_91 = arith.constant 0 : index
    %get3A_92 = arith.constant 0 : index
    %get3A_93 = arith.constant 768 : index
    %get3A_94 = vector.load %arg1[%get3A_91, %get3A_92, %get3A_93] : memref<2x200x3328xf32, #tpu.memory_space<vmem>>, vector<1x200x128xf32>
    %get3A_95 = vector.shape_cast %get3A_94 : vector<1x200x128xf32> to vector<200x128xf32>
    %mul3A_96 = arith.constant 11.3137083 : f32
    %mul3A_97 = vector.broadcast %mul3A_96 : f32 to vector<200x128xf32>
    %mul3A_98 = arith.mulf %get3A_95, %mul3A_97 : vector<200x128xf32>
    %add3A_99 = arith.addf %mul3A_98, %get3A_3 : vector<200x128xf32>
    %swap3A_100 = arith.constant 0 : index
    %swap3A_101 = arith.constant 0 : index
    %swap3A_102 = arith.constant 768 : index
    %swap3A_103 = vector.load %arg3[%swap3A_100, %swap3A_101, %swap3A_102] : memref<2x200x3328xf32, #tpu.memory_space<vmem>>, vector<1x200x128xf32>
    %swap3A_104 = vector.shape_cast %swap3A_103 : vector<1x200x128xf32> to vector<200x128xf32>
    %swap3A_105 = vector.shape_cast %add3A_99 : vector<200x128xf32> to vector<1x200x128xf32>
    tpu.vector_store %arg3[%swap3A_100, %swap3A_101, %swap3A_102], %swap3A_105 {strides = array<i32>} : memref<2x200x3328xf32, #tpu.memory_space<vmem>>, vector<1x200x128xf32>,
    %get3A_106 = arith.constant 0 : index
    %get3A_107 = arith.constant 0 : index
    %get3A_108 = arith.constant 896 : index
    %get3A_109 = vector.load %arg1[%get3A_106, %get3A_107, %get3A_108] : memref<2x200x3328xf32, #tpu.memory_space<vmem>>, vector<1x200x128xf32>
    %get3A_110 = vector.shape_cast %get3A_109 : vector<1x200x128xf32> to vector<200x128xf32>
    %mul3A_111 = arith.constant 11.3137083 : f32
    %mul3A_112 = vector.broadcast %mul3A_111 : f32 to vector<200x128xf32>
    %mul3A_113 = arith.mulf %get3A_110, %mul3A_112 : vector<200x128xf32>
    %add3A_114 = arith.addf %mul3A_113, %get3A_3 : vector<200x128xf32>
    %swap3A_115 = arith.constant 0 : index
    %swap3A_116 = arith.constant 0 : index
    %swap3A_117 = arith.constant 896 : index
    %swap3A_118 = vector.load %arg3[%swap3A_115, %swap3A_116, %swap3A_117] : memref<2x200x3328xf32, #tpu.memory_space<vmem>>, vector<1x200x128xf32>
    %swap3A_119 = vector.shape_cast %swap3A_118 : vector<1x200x128xf32> to vector<200x128xf32>
    %swap3A_120 = vector.shape_cast %add3A_114 : vector<200x128xf32> to vector<1x200x128xf32>
    tpu.vector_store %arg3[%swap3A_115, %swap3A_116, %swap3A_117], %swap3A_120 {strides = array<i32>} : memref<2x200x3328xf32, #tpu.memory_space<vmem>>, vector<1x200x128xf32>,
    %get3A_121 = arith.constant 0 : index
    %get3A_122 = arith.constant 0 : index
    %get3A_123 = arith.constant 1024 : index
    %get3A_124 = vector.load %arg1[%get3A_121, %get3A_122, %get3A_123] : memref<2x200x3328xf32, #tpu.memory_space<vmem>>, vector<1x200x128xf32>
    %get3A_125 = vector.shape_cast %get3A_124 : vector<1x200x128xf32> to vector<200x128xf32>
    %mul3A_126 = arith.constant 11.3137083 : f32
    %mul3A_127 = vector.broadcast %mul3A_126 : f32 to vector<200x128xf32>
    %mul3A_128 = arith.mulf %get3A_125, %mul3A_127 : vector<200x128xf32>
    %add3A_129 = arith.addf %mul3A_128, %get3A_3 : vector<200x128xf32>
    %swap3A_130 = arith.constant 0 : index
    %swap3A_131 = arith.constant 0 : index
    %swap3A_132 = arith.constant 1024 : index
    %swap3A_133 = vector.load %arg3[%swap3A_130, %swap3A_131, %swap3A_132] : memref<2x200x3328xf32, #tpu.memory_space<vmem>>, vector<1x200x128xf32>
    %swap3A_134 = vector.shape_cast %swap3A_133 : vector<1x200x128xf32> to vector<200x128xf32>
    %swap3A_135 = vector.shape_cast %add3A_129 : vector<200x128xf32> to vector<1x200x128xf32>
    tpu.vector_store %arg3[%swap3A_130, %swap3A_131, %swap3A_132], %swap3A_135 {strides = array<i32>} : memref<2x200x3328xf32, #tpu.memory_space<vmem>>, vector<1x200x128xf32>,
    %get3A_136 = arith.constant 0 : index
    %get3A_137 = arith.constant 0 : index
    %get3A_138 = arith.constant 1152 : index
    %get3A_139 = vector.load %arg1[%get3A_136, %get3A_137, %get3A_138] : memref<2x200x3328xf32, #tpu.memory_space<vmem>>, vector<1x200x128xf32>
    %get3A_140 = vector.shape_cast %get3A_139 : vector<1x200x128xf32> to vector<200x128xf32>
    %mul3A_141 = arith.constant 11.3137083 : f32
    %mul3A_142 = vector.broadcast %mul3A_141 : f32 to vector<200x128xf32>
    %mul3A_143 = arith.mulf %get3A_140, %mul3A_142 : vector<200x128xf32>
    %add3A_144 = arith.addf %mul3A_143, %get3A_3 : vector<200x128xf32>
    %swap3A_145 = arith.constant 0 : index
    %swap3A_146 = arith.constant 0 : index
    %swap3A_147 = arith.constant 1152 : index
    %swap3A_148 = vector.load %arg3[%swap3A_145, %swap3A_146, %swap3A_147] : memref<2x200x3328xf32, #tpu.memory_space<vmem>>, vector<1x200x128xf32>
    %swap3A_149 = vector.shape_cast %swap3A_148 : vector<1x200x128xf32> to vector<200x128xf32>
    %swap3A_150 = vector.shape_cast %add3A_144 : vector<200x128xf32> to vector<1x200x128xf32>
    tpu.vector_store %arg3[%swap3A_145, %swap3A_146, %swap3A_147], %swap3A_150 {strides = array<i32>} : memref<2x200x3328xf32, #tpu.memory_space<vmem>>, vector<1x200x128xf32>,
    %get3A_151 = arith.constant 0 : index
    %get3A_152 = arith.constant 0 : index
    %get3A_153 = arith.constant 1280 : index
    %get3A_154 = vector.load %arg1[%get3A_151, %get3A_152, %get3A_153] : memref<2x200x3328xf32, #tpu.memory_space<vmem>>, vector<1x200x128xf32>
    %get3A_155 = vector.shape_cast %get3A_154 : vector<1x200x128xf32> to vector<200x128xf32>
    %mul3A_156 = arith.constant 11.3137083 : f32
    %mul3A_157 = vector.broadcast %mul3A_156 : f32 to vector<200x128xf32>
    %mul3A_158 = arith.mulf %get3A_155, %mul3A_157 : vector<200x128xf32>
    %add3A_159 = arith.addf %mul3A_158, %get3A_3 : vector<200x128xf32>
    %swap3A_160 = arith.constant 0 : index
    %swap3A_161 = arith.constant 0 : index
    %swap3A_162 = arith.constant 1280 : index
    %swap3A_163 = vector.load %arg3[%swap3A_160, %swap3A_161, %swap3A_162] : memref<2x200x3328xf32, #tpu.memory_space<vmem>>, vector<1x200x128xf32>
    %swap3A_164 = vector.shape_cast %swap3A_163 : vector<1x200x128xf32> to vector<200x128xf32>
    %swap3A_165 = vector.shape_cast %add3A_159 : vector<200x128xf32> to vector<1x200x128xf32>
    tpu.vector_store %arg3[%swap3A_160, %swap3A_161, %swap3A_162], %swap3A_165 {strides = array<i32>} : memref<2x200x3328xf32, #tpu.memory_space<vmem>>, vector<1x200x128xf32>,
    %get3A_166 = arith.constant 0 : index
    %get3A_167 = arith.constant 0 : index
    %get3A_168 = arith.constant 1408 : index
    %get3A_169 = vector.load %arg1[%get3A_166, %get3A_167, %get3A_168] : memref<2x200x3328xf32, #tpu.memory_space<vmem>>, vector<1x200x128xf32>
    %get3A_170 = vector.shape_cast %get3A_169 : vector<1x200x128xf32> to vector<200x128xf32>
    %mul3A_171 = arith.constant 11.3137083 : f32
    %mul3A_172 = vector.broadcast %mul3A_171 : f32 to vector<200x128xf32>
    %mul3A_173 = arith.mulf %get3A_170, %mul3A_172 : vector<200x128xf32>
    %add3A_174 = arith.addf %mul3A_173, %get3A_3 : vector<200x128xf32>
    %swap3A_175 = arith.constant 0 : index
    %swap3A_176 = arith.constant 0 : index
    %swap3A_177 = arith.constant 1408 : index
    %swap3A_178 = vector.load %arg3[%swap3A_175, %swap3A_176, %swap3A_177] : memref<2x200x3328xf32, #tpu.memory_space<vmem>>, vector<1x200x128xf32>
    %swap3A_179 = vector.shape_cast %swap3A_178 : vector<1x200x128xf32> to vector<200x128xf32>
    %swap3A_180 = vector.shape_cast %add3A_174 : vector<200x128xf32> to vector<1x200x128xf32>
    tpu.vector_store %arg3[%swap3A_175, %swap3A_176, %swap3A_177], %swap3A_180 {strides = array<i32>} : memref<2x200x3328xf32, #tpu.memory_space<vmem>>, vector<1x200x128xf32>,
    %get3A_181 = arith.constant 0 : index
    %get3A_182 = arith.constant 0 : index
    %get3A_183 = arith.constant 1536 : index
    %get3A_184 = vector.load %arg1[%get3A_181, %get3A_182, %get3A_183] : memref<2x200x3328xf32, #tpu.memory_space<vmem>>, vector<1x200x128xf32>
    %get3A_185 = vector.shape_cast %get3A_184 : vector<1x200x128xf32> to vector<200x128xf32>
    %mul3A_186 = arith.constant 11.3137083 : f32
    %mul3A_187 = vector.broadcast %mul3A_186 : f32 to vector<200x128xf32>
    %mul3A_188 = arith.mulf %get3A_185, %mul3A_187 : vector<200x128xf32>
    %add3A_189 = arith.addf %mul3A_188, %get3A_3 : vector<200x128xf32>
    %swap3A_190 = arith.constant 0 : index
    %swap3A_191 = arith.constant 0 : index
    %swap3A_192 = arith.constant 1536 : index
    %swap3A_193 = vector.load %arg3[%swap3A_190, %swap3A_191, %swap3A_192] : memref<2x200x3328xf32, #tpu.memory_space<vmem>>, vector<1x200x128xf32>
    %swap3A_194 = vector.shape_cast %swap3A_193 : vector<1x200x128xf32> to vector<200x128xf32>
    %swap3A_195 = vector.shape_cast %add3A_189 : vector<200x128xf32> to vector<1x200x128xf32>
    tpu.vector_store %arg3[%swap3A_190, %swap3A_191, %swap3A_192], %swap3A_195 {strides = array<i32>} : memref<2x200x3328xf32, #tpu.memory_space<vmem>>, vector<1x200x128xf32>,
    %get3A_196 = arith.constant 0 : index
    %get3A_197 = arith.constant 0 : index
    %get3A_198 = arith.constant 1664 : index
    %get3A_199 = vector.load %arg1[%get3A_196, %get3A_197, %get3A_198] : memref<2x200x3328xf32, #tpu.memory_space<vmem>>, vector<1x200x128xf32>
    %get3A_200 = vector.shape_cast %get3A_199 : vector<1x200x128xf32> to vector<200x128xf32>
    %mul3A_201 = arith.constant 11.3137083 : f32
    %mul3A_202 = vector.broadcast %mul3A_201 : f32 to vector<200x128xf32>
    %mul3A_203 = arith.mulf %get3A_200, %mul3A_202 : vector<200x128xf32>
    %add3A_204 = arith.addf %mul3A_203, %get3A_3 : vector<200x128xf32>
    %swap3A_205 = arith.constant 0 : index
    %swap3A_206 = arith.constant 0 : index
    %swap3A_207 = arith.constant 1664 : index
    %swap3A_208 = vector.load %arg3[%swap3A_205, %swap3A_206, %swap3A_207] : memref<2x200x3328xf32, #tpu.memory_space<vmem>>, vector<1x200x128xf32>
    %swap3A_209 = vector.shape_cast %swap3A_208 : vector<1x200x128xf32> to vector<200x128xf32>
    %swap3A_210 = vector.shape_cast %add3A_204 : vector<200x128xf32> to vector<1x200x128xf32>
    tpu.vector_store %arg3[%swap3A_205, %swap3A_206, %swap3A_207], %swap3A_210 {strides = array<i32>} : memref<2x200x3328xf32, #tpu.memory_space<vmem>>, vector<1x200x128xf32>,
    %get3A_211 = arith.constant 0 : index
    %get3A_212 = arith.constant 0 : index
    %get3A_213 = arith.constant 1792 : index
    %get3A_214 = vector.load %arg1[%get3A_211, %get3A_212, %get3A_213] : memref<2x200x3328xf32, #tpu.memory_space<vmem>>, vector<1x200x128xf32>
    %get3A_215 = vector.shape_cast %get3A_214 : vector<1x200x128xf32> to vector<200x128xf32>
    %mul3A_216 = arith.constant 11.3137083 : f32
    %mul3A_217 = vector.broadcast %mul3A_216 : f32 to vector<200x128xf32>
    %mul3A_218 = arith.mulf %get3A_215, %mul3A_217 : vector<200x128xf32>
    %add3A_219 = arith.addf %mul3A_218, %get3A_3 : vector<200x128xf32>
    %swap3A_220 = arith.constant 0 : index
    %swap3A_221 = arith.constant 0 : index
    %swap3A_222 = arith.constant 1792 : index
    %swap3A_223 = vector.load %arg3[%swap3A_220, %swap3A_221, %swap3A_222] : memref<2x200x3328xf32, #tpu.memory_space<vmem>>, vector<1x200x128xf32>
    %swap3A_224 = vector.shape_cast %swap3A_223 : vector<1x200x128xf32> to vector<200x128xf32>
    %swap3A_225 = vector.shape_cast %add3A_219 : vector<200x128xf32> to vector<1x200x128xf32>
    tpu.vector_store %arg3[%swap3A_220, %swap3A_221, %swap3A_222], %swap3A_225 {strides = array<i32>} : memref<2x200x3328xf32, #tpu.memory_space<vmem>>, vector<1x200x128xf32>,
    %get3A_226 = arith.constant 0 : index
    %get3A_227 = arith.constant 0 : index
    %get3A_228 = arith.constant 1920 : index
    %get3A_229 = vector.load %arg1[%get3A_226, %get3A_227, %get3A_228] : memref<2x200x3328xf32, #tpu.memory_space<vmem>>, vector<1x200x128xf32>
    %get3A_230 = vector.shape_cast %get3A_229 : vector<1x200x128xf32> to vector<200x128xf32>
    %mul3A_231 = arith.constant 11.3137083 : f32
    %mul3A_232 = vector.broadcast %mul3A_231 : f32 to vector<200x128xf32>
    %mul3A_233 = arith.mulf %get3A_230, %mul3A_232 : vector<200x128xf32>
    %add3A_234 = arith.addf %mul3A_233, %get3A_3 : vector<200x128xf32>
    %swap3A_235 = arith.constant 0 : index
    %swap3A_236 = arith.constant 0 : index
    %swap3A_237 = arith.constant 1920 : index
    %swap3A_238 = vector.load %arg3[%swap3A_235, %swap3A_236, %swap3A_237] : memref<2x200x3328xf32, #tpu.memory_space<vmem>>, vector<1x200x128xf32>
    %swap3A_239 = vector.shape_cast %swap3A_238 : vector<1x200x128xf32> to vector<200x128xf32>
    %swap3A_240 = vector.shape_cast %add3A_234 : vector<200x128xf32> to vector<1x200x128xf32>
    tpu.vector_store %arg3[%swap3A_235, %swap3A_236, %swap3A_237], %swap3A_240 {strides = array<i32>} : memref<2x200x3328xf32, #tpu.memory_space<vmem>>, vector<1x200x128xf32>,
    %get3A_241 = arith.constant 0 : index
    %get3A_242 = arith.constant 0 : index
    %get3A_243 = arith.constant 2048 : index
    %get3A_244 = vector.load %arg1[%get3A_241, %get3A_242, %get3A_243] : memref<2x200x3328xf32, #tpu.memory_space<vmem>>, vector<1x200x128xf32>
    %get3A_245 = vector.shape_cast %get3A_244 : vector<1x200x128xf32> to vector<200x128xf32>
    %mul3A_246 = arith.constant 11.3137083 : f32
    %mul3A_247 = vector.broadcast %mul3A_246 : f32 to vector<200x128xf32>
    %mul3A_248 = arith.mulf %get3A_245, %mul3A_247 : vector<200x128xf32>
    %add3A_249 = arith.addf %mul3A_248, %get3A_3 : vector<200x128xf32>
    %swap3A_250 = arith.constant 0 : index
    %swap3A_251 = arith.constant 0 : index
    %swap3A_252 = arith.constant 2048 : index
    %swap3A_253 = vector.load %arg3[%swap3A_250, %swap3A_251, %swap3A_252] : memref<2x200x3328xf32, #tpu.memory_space<vmem>>, vector<1x200x128xf32>
    %swap3A_254 = vector.shape_cast %swap3A_253 : vector<1x200x128xf32> to vector<200x128xf32>
    %swap3A_255 = vector.shape_cast %add3A_249 : vector<200x128xf32> to vector<1x200x128xf32>
    tpu.vector_store %arg3[%swap3A_250, %swap3A_251, %swap3A_252], %swap3A_255 {strides = array<i32>} : memref<2x200x3328xf32, #tpu.memory_space<vmem>>, vector<1x200x128xf32>,
    %get3A_256 = arith.constant 0 : index
    %get3A_257 = arith.constant 0 : index
    %get3A_258 = arith.constant 2176 : index
    %get3A_259 = vector.load %arg1[%get3A_256, %get3A_257, %get3A_258] : memref<2x200x3328xf32, #tpu.memory_space<vmem>>, vector<1x200x128xf32>
    %get3A_260 = vector.shape_cast %get3A_259 : vector<1x200x128xf32> to vector<200x128xf32>
    %mul3A_261 = arith.constant 11.3137083 : f32
    %mul3A_262 = vector.broadcast %mul3A_261 : f32 to vector<200x128xf32>
    %mul3A_263 = arith.mulf %get3A_260, %mul3A_262 : vector<200x128xf32>
    %add3A_264 = arith.addf %mul3A_263, %get3A_3 : vector<200x128xf32>
    %swap3A_265 = arith.constant 0 : index
    %swap3A_266 = arith.constant 0 : index
    %swap3A_267 = arith.constant 2176 : index
    %swap3A_268 = vector.load %arg3[%swap3A_265, %swap3A_266, %swap3A_267] : memref<2x200x3328xf32, #tpu.memory_space<vmem>>, vector<1x200x128xf32>
    %swap3A_269 = vector.shape_cast %swap3A_268 : vector<1x200x128xf32> to vector<200x128xf32>
    %swap3A_270 = vector.shape_cast %add3A_264 : vector<200x128xf32> to vector<1x200x128xf32>
    tpu.vector_store %arg3[%swap3A_265, %swap3A_266, %swap3A_267], %swap3A_270 {strides = array<i32>} : memref<2x200x3328xf32, #tpu.memory_space<vmem>>, vector<1x200x128xf32>,
    %get3A_271 = arith.constant 0 : index
    %get3A_272 = arith.constant 0 : index
    %get3A_273 = arith.constant 2304 : index
    %get3A_274 = vector.load %arg1[%get3A_271, %get3A_272, %get3A_273] : memref<2x200x3328xf32, #tpu.memory_space<vmem>>, vector<1x200x128xf32>
    %get3A_275 = vector.shape_cast %get3A_274 : vector<1x200x128xf32> to vector<200x128xf32>
    %mul3A_276 = arith.constant 11.3137083 : f32
    %mul3A_277 = vector.broadcast %mul3A_276 : f32 to vector<200x128xf32>
    %mul3A_278 = arith.mulf %get3A_275, %mul3A_277 : vector<200x128xf32>
    %add3A_279 = arith.addf %mul3A_278, %get3A_3 : vector<200x128xf32>
    %swap3A_280 = arith.constant 0 : index
    %swap3A_281 = arith.constant 0 : index
    %swap3A_282 = arith.constant 2304 : index
    %swap3A_283 = vector.load %arg3[%swap3A_280, %swap3A_281, %swap3A_282] : memref<2x200x3328xf32, #tpu.memory_space<vmem>>, vector<1x200x128xf32>
    %swap3A_284 = vector.shape_cast %swap3A_283 : vector<1x200x128xf32> to vector<200x128xf32>
    %swap3A_285 = vector.shape_cast %add3A_279 : vector<200x128xf32> to vector<1x200x128xf32>
    tpu.vector_store %arg3[%swap3A_280, %swap3A_281, %swap3A_282], %swap3A_285 {strides = array<i32>} : memref<2x200x3328xf32, #tpu.memory_space<vmem>>, vector<1x200x128xf32>,
    %get3A_286 = arith.constant 0 : index
    %get3A_287 = arith.constant 0 : index
    %get3A_288 = arith.constant 2432 : index
    %get3A_289 = vector.load %arg1[%get3A_286, %get3A_287, %get3A_288] : memref<2x200x3328xf32, #tpu.memory_space<vmem>>, vector<1x200x128xf32>
    %get3A_290 = vector.shape_cast %get3A_289 : vector<1x200x128xf32> to vector<200x128xf32>
    %mul3A_291 = arith.constant 11.3137083 : f32
    %mul3A_292 = vector.broadcast %mul3A_291 : f32 to vector<200x128xf32>
    %mul3A_293 = arith.mulf %get3A_290, %mul3A_292 : vector<200x128xf32>
    %add3A_294 = arith.addf %mul3A_293, %get3A_3 : vector<200x128xf32>
    %swap3A_295 = arith.constant 0 : index
    %swap3A_296 = arith.constant 0 : index
    %swap3A_297 = arith.constant 2432 : index
    %swap3A_298 = vector.load %arg3[%swap3A_295, %swap3A_296, %swap3A_297] : memref<2x200x3328xf32, #tpu.memory_space<vmem>>, vector<1x200x128xf32>
    %swap3A_299 = vector.shape_cast %swap3A_298 : vector<1x200x128xf32> to vector<200x128xf32>
    %swap3A_300 = vector.shape_cast %add3A_294 : vector<200x128xf32> to vector<1x200x128xf32>
    tpu.vector_store %arg3[%swap3A_295, %swap3A_296, %swap3A_297], %swap3A_300 {strides = array<i32>} : memref<2x200x3328xf32, #tpu.memory_space<vmem>>, vector<1x200x128xf32>,
    %get3A_301 = arith.constant 0 : index
    %get3A_302 = arith.constant 0 : index
    %get3A_303 = arith.constant 2560 : index
    %get3A_304 = vector.load %arg1[%get3A_301, %get3A_302, %get3A_303] : memref<2x200x3328xf32, #tpu.memory_space<vmem>>, vector<1x200x128xf32>
    %get3A_305 = vector.shape_cast %get3A_304 : vector<1x200x128xf32> to vector<200x128xf32>
    %mul3A_306 = arith.constant 11.3137083 : f32
    %mul3A_307 = vector.broadcast %mul3A_306 : f32 to vector<200x128xf32>
    %mul3A_308 = arith.mulf %get3A_305, %mul3A_307 : vector<200x128xf32>
    %add3A_309 = arith.addf %mul3A_308, %get3A_3 : vector<200x128xf32>
    %swap3A_310 = arith.constant 0 : index
    %swap3A_311 = arith.constant 0 : index
    %swap3A_312 = arith.constant 2560 : index
    %swap3A_313 = vector.load %arg3[%swap3A_310, %swap3A_311, %swap3A_312] : memref<2x200x3328xf32, #tpu.memory_space<vmem>>, vector<1x200x128xf32>
    %swap3A_314 = vector.shape_cast %swap3A_313 : vector<1x200x128xf32> to vector<200x128xf32>
    %swap3A_315 = vector.shape_cast %add3A_309 : vector<200x128xf32> to vector<1x200x128xf32>
    tpu.vector_store %arg3[%swap3A_310, %swap3A_311, %swap3A_312], %swap3A_315 {strides = array<i32>} : memref<2x200x3328xf32, #tpu.memory_space<vmem>>, vector<1x200x128xf32>,
    %get3A_316 = arith.constant 0 : index
    %get3A_317 = arith.constant 0 : index
    %get3A_318 = arith.constant 2688 : index
    %get3A_319 = vector.load %arg1[%get3A_316, %get3A_317, %get3A_318] : memref<2x200x3328xf32, #tpu.memory_space<vmem>>, vector<1x200x128xf32>
    %get3A_320 = vector.shape_cast %get3A_319 : vector<1x200x128xf32> to vector<200x128xf32>
    %mul3A_321 = arith.constant 11.3137083 : f32
    %mul3A_322 = vector.broadcast %mul3A_321 : f32 to vector<200x128xf32>
    %mul3A_323 = arith.mulf %get3A_320, %mul3A_322 : vector<200x128xf32>
    %add3A_324 = arith.addf %mul3A_323, %get3A_3 : vector<200x128xf32>
    %swap3A_325 = arith.constant 0 : index
    %swap3A_326 = arith.constant 0 : index
    %swap3A_327 = arith.constant 2688 : index
    %swap3A_328 = vector.load %arg3[%swap3A_325, %swap3A_326, %swap3A_327] : memref<2x200x3328xf32, #tpu.memory_space<vmem>>, vector<1x200x128xf32>
    %swap3A_329 = vector.shape_cast %swap3A_328 : vector<1x200x128xf32> to vector<200x128xf32>
    %swap3A_330 = vector.shape_cast %add3A_324 : vector<200x128xf32> to vector<1x200x128xf32>
    tpu.vector_store %arg3[%swap3A_325, %swap3A_326, %swap3A_327], %swap3A_330 {strides = array<i32>} : memref<2x200x3328xf32, #tpu.memory_space<vmem>>, vector<1x200x128xf32>,
    %get3A_331 = arith.constant 0 : index
    %get3A_332 = arith.constant 0 : index
    %get3A_333 = arith.constant 2816 : index
    %get3A_334 = vector.load %arg1[%get3A_331, %get3A_332, %get3A_333] : memref<2x200x3328xf32, #tpu.memory_space<vmem>>, vector<1x200x128xf32>
    %get3A_335 = vector.shape_cast %get3A_334 : vector<1x200x128xf32> to vector<200x128xf32>
    %mul3A_336 = arith.constant 11.3137083 : f32
    %mul3A_337 = vector.broadcast %mul3A_336 : f32 to vector<200x128xf32>
    %mul3A_338 = arith.mulf %get3A_335, %mul3A_337 : vector<200x128xf32>
    %add3A_339 = arith.addf %mul3A_338, %get3A_3 : vector<200x128xf32>
    %swap3A_340 = arith.constant 0 : index
    %swap3A_341 = arith.constant 0 : index
    %swap3A_342 = arith.constant 2816 : index
    %swap3A_343 = vector.load %arg3[%swap3A_340, %swap3A_341, %swap3A_342] : memref<2x200x3328xf32, #tpu.memory_space<vmem>>, vector<1x200x128xf32>
    %swap3A_344 = vector.shape_cast %swap3A_343 : vector<1x200x128xf32> to vector<200x128xf32>
    %swap3A_345 = vector.shape_cast %add3A_339 : vector<200x128xf32> to vector<1x200x128xf32>
    tpu.vector_store %arg3[%swap3A_340, %swap3A_341, %swap3A_342], %swap3A_345 {strides = array<i32>} : memref<2x200x3328xf32, #tpu.memory_space<vmem>>, vector<1x200x128xf32>,
    %get3A_346 = arith.constant 0 : index
    %get3A_347 = arith.constant 0 : index
    %get3A_348 = arith.constant 2944 : index
    %get3A_349 = vector.load %arg1[%get3A_346, %get3A_347, %get3A_348] : memref<2x200x3328xf32, #tpu.memory_space<vmem>>, vector<1x200x128xf32>
    %get3A_350 = vector.shape_cast %get3A_349 : vector<1x200x128xf32> to vector<200x128xf32>
    %mul3A_351 = arith.constant 11.3137083 : f32
    %mul3A_352 = vector.broadcast %mul3A_351 : f32 to vector<200x128xf32>
    %mul3A_353 = arith.mulf %get3A_350, %mul3A_352 : vector<200x128xf32>
    %add3A_354 = arith.addf %mul3A_353, %get3A_3 : vector<200x128xf32>
    %swap3A_355 = arith.constant 0 : index
    %swap3A_356 = arith.constant 0 : index
    %swap3A_357 = arith.constant 2944 : index
    %swap3A_358 = vector.load %arg3[%swap3A_355, %swap3A_356, %swap3A_357] : memref<2x200x3328xf32, #tpu.memory_space<vmem>>, vector<1x200x128xf32>
    %swap3A_359 = vector.shape_cast %swap3A_358 : vector<1x200x128xf32> to vector<200x128xf32>
    %swap3A_360 = vector.shape_cast %add3A_354 : vector<200x128xf32> to vector<1x200x128xf32>
    tpu.vector_store %arg3[%swap3A_355, %swap3A_356, %swap3A_357], %swap3A_360 {strides = array<i32>} : memref<2x200x3328xf32, #tpu.memory_space<vmem>>, vector<1x200x128xf32>,
    %get3A_361 = arith.constant 0 : index
    %get3A_362 = arith.constant 0 : index
    %get3A_363 = arith.constant 3072 : index
    %get3A_364 = vector.load %arg1[%get3A_361, %get3A_362, %get3A_363] : memref<2x200x3328xf32, #tpu.memory_space<vmem>>, vector<1x200x128xf32>
    %get3A_365 = vector.shape_cast %get3A_364 : vector<1x200x128xf32> to vector<200x128xf32>
    %mul3A_366 = arith.constant 11.3137083 : f32
    %mul3A_367 = vector.broadcast %mul3A_366 : f32 to vector<200x128xf32>
    %mul3A_368 = arith.mulf %get3A_365, %mul3A_367 : vector<200x128xf32>
    %add3A_369 = arith.addf %mul3A_368, %get3A_3 : vector<200x128xf32>
    %swap3A_370 = arith.constant 0 : index
    %swap3A_371 = arith.constant 0 : index
    %swap3A_372 = arith.constant 3072 : index
    %swap3A_373 = vector.load %arg3[%swap3A_370, %swap3A_371, %swap3A_372] : memref<2x200x3328xf32, #tpu.memory_space<vmem>>, vector<1x200x128xf32>
    %swap3A_374 = vector.shape_cast %swap3A_373 : vector<1x200x128xf32> to vector<200x128xf32>
    %swap3A_375 = vector.shape_cast %add3A_369 : vector<200x128xf32> to vector<1x200x128xf32>
    tpu.vector_store %arg3[%swap3A_370, %swap3A_371, %swap3A_372], %swap3A_375 {strides = array<i32>} : memref<2x200x3328xf32, #tpu.memory_space<vmem>>, vector<1x200x128xf32>,
    %get3A_376 = arith.constant 0 : index
    %get3A_377 = arith.constant 0 : index
    %get3A_378 = arith.constant 3200 : index
    %get3A_379 = vector.load %arg1[%get3A_376, %get3A_377, %get3A_378] : memref<2x200x3328xf32, #tpu.memory_space<vmem>>, vector<1x200x128xf32>
    %get3A_380 = vector.shape_cast %get3A_379 : vector<1x200x128xf32> to vector<200x128xf32>
    %mul3A_381 = arith.constant 11.3137083 : f32
    %mul3A_382 = vector.broadcast %mul3A_381 : f32 to vector<200x128xf32>
    %mul3A_383 = arith.mulf %get3A_380, %mul3A_382 : vector<200x128xf32>
    %add3A_384 = arith.addf %mul3A_383, %get3A_3 : vector<200x128xf32>
    %swap3A_385 = arith.constant 0 : index
    %swap3A_386 = arith.constant 0 : index
    %swap3A_387 = arith.constant 3200 : index
    %swap3A_388 = vector.load %arg3[%swap3A_385, %swap3A_386, %swap3A_387] : memref<2x200x3328xf32, #tpu.memory_space<vmem>>, vector<1x200x128xf32>
    %swap3A_389 = vector.shape_cast %swap3A_388 : vector<1x200x128xf32> to vector<200x128xf32>
    %swap3A_390 = vector.shape_cast %add3A_384 : vector<200x128xf32> to vector<1x200x128xf32>
    tpu.vector_store %arg3[%swap3A_385, %swap3A_386, %swap3A_387], %swap3A_390 {strides = array<i32>} : memref<2x200x3328xf32, #tpu.memory_space<vmem>>, vector<1x200x128xf32>,
    %get3A_391 = arith.constant 1 : index
    %get3A_392 = arith.constant 0 : index
    %get3A_393 = arith.constant 0 : index
    %get3A_394 = vector.load %arg2[%get3A_391, %get3A_392, %get3A_393] : memref<2x200x128xf32, #tpu.memory_space<vmem>>, vector<1x200x128xf32>
    %get3A_395 = vector.shape_cast %get3A_394 : vector<1x200x128xf32> to vector<200x128xf32>
    %get3A_396 = arith.constant 1 : index
    %get3A_397 = arith.constant 0 : index
    %get3A_398 = arith.constant 0 : index
    %get3A_399 = vector.load %arg1[%get3A_396, %get3A_397, %get3A_398] : memref<2x200x3328xf32, #tpu.memory_space<vmem>>, vector<1x200x128xf32>
    %get3A_400 = vector.shape_cast %get3A_399 : vector<1x200x128xf32> to vector<200x128xf32>
    %mul3A_401 = arith.constant 11.3137083 : f32
    %mul3A_402 = vector.broadcast %mul3A_401 : f32 to vector<200x128xf32>
    %mul3A_403 = arith.mulf %get3A_400, %mul3A_402 : vector<200x128xf32>
    %add3A_404 = arith.addf %mul3A_403, %get3A_395 : vector<200x128xf32>
    %swap3A_405 = arith.constant 1 : index
    %swap3A_406 = arith.constant 0 : index
    %swap3A_407 = arith.constant 0 : index
    %swap3A_408 = vector.load %arg3[%swap3A_405, %swap3A_406, %swap3A_407] : memref<2x200x3328xf32, #tpu.memory_space<vmem>>, vector<1x200x128xf32>
    %swap3A_409 = vector.shape_cast %swap3A_408 : vector<1x200x128xf32> to vector<200x128xf32>
    %swap3A_410 = vector.shape_cast %add3A_404 : vector<200x128xf32> to vector<1x200x128xf32>
    tpu.vector_store %arg3[%swap3A_405, %swap3A_406, %swap3A_407], %swap3A_410 {strides = array<i32>} : memref<2x200x3328xf32, #tpu.memory_space<vmem>>, vector<1x200x128xf32>,
    %get3A_411 = arith.constant 1 : index
    %get3A_412 = arith.constant 0 : index
    %get3A_413 = arith.constant 128 : index
    %get3A_414 = vector.load %arg1[%get3A_411, %get3A_412, %get3A_413] : memref<2x200x3328xf32, #tpu.memory_space<vmem>>, vector<1x200x128xf32>
    %get3A_415 = vector.shape_cast %get3A_414 : vector<1x200x128xf32> to vector<200x128xf32>
    %mul3A_416 = arith.constant 11.3137083 : f32
    %mul3A_417 = vector.broadcast %mul3A_416 : f32 to vector<200x128xf32>
    %mul3A_418 = arith.mulf %get3A_415, %mul3A_417 : vector<200x128xf32>
    %add3A_419 = arith.addf %mul3A_418, %get3A_395 : vector<200x128xf32>
    %swap3A_420 = arith.constant 1 : index
    %swap3A_421 = arith.constant 0 : index
    %swap3A_422 = arith.constant 128 : index
    %swap3A_423 = vector.load %arg3[%swap3A_420, %swap3A_421, %swap3A_422] : memref<2x200x3328xf32, #tpu.memory_space<vmem>>, vector<1x200x128xf32>
    %swap3A_424 = vector.shape_cast %swap3A_423 : vector<1x200x128xf32> to vector<200x128xf32>
    %swap3A_425 = vector.shape_cast %add3A_419 : vector<200x128xf32> to vector<1x200x128xf32>
    tpu.vector_store %arg3[%swap3A_420, %swap3A_421, %swap3A_422], %swap3A_425 {strides = array<i32>} : memref<2x200x3328xf32, #tpu.memory_space<vmem>>, vector<1x200x128xf32>,
    %get3A_426 = arith.constant 1 : index
    %get3A_427 = arith.constant 0 : index
    %get3A_428 = arith.constant 256 : index
    %get3A_429 = vector.load %arg1[%get3A_426, %get3A_427, %get3A_428] : memref<2x200x3328xf32, #tpu.memory_space<vmem>>, vector<1x200x128xf32>
    %get3A_430 = vector.shape_cast %get3A_429 : vector<1x200x128xf32> to vector<200x128xf32>
    %mul3A_431 = arith.constant 11.3137083 : f32
    %mul3A_432 = vector.broadcast %mul3A_431 : f32 to vector<200x128xf32>
    %mul3A_433 = arith.mulf %get3A_430, %mul3A_432 : vector<200x128xf32>
    %add3A_434 = arith.addf %mul3A_433, %get3A_395 : vector<200x128xf32>
    %swap3A_435 = arith.constant 1 : index
    %swap3A_436 = arith.constant 0 : index
    %swap3A_437 = arith.constant 256 : index
    %swap3A_438 = vector.load %arg3[%swap3A_435, %swap3A_436, %swap3A_437] : memref<2x200x3328xf32, #tpu.memory_space<vmem>>, vector<1x200x128xf32>
    %swap3A_439 = vector.shape_cast %swap3A_438 : vector<1x200x128xf32> to vector<200x128xf32>
    %swap3A_440 = vector.shape_cast %add3A_434 : vector<200x128xf32> to vector<1x200x128xf32>
    tpu.vector_store %arg3[%swap3A_435, %swap3A_436, %swap3A_437], %swap3A_440 {strides = array<i32>} : memref<2x200x3328xf32, #tpu.memory_space<vmem>>, vector<1x200x128xf32>,
    %get3A_441 = arith.constant 1 : index
    %get3A_442 = arith.constant 0 : index
    %get3A_443 = arith.constant 384 : index
    %get3A_444 = vector.load %arg1[%get3A_441, %get3A_442, %get3A_443] : memref<2x200x3328xf32, #tpu.memory_space<vmem>>, vector<1x200x128xf32>
    %get3A_445 = vector.shape_cast %get3A_444 : vector<1x200x128xf32> to vector<200x128xf32>
    %mul3A_446 = arith.constant 11.3137083 : f32
    %mul3A_447 = vector.broadcast %mul3A_446 : f32 to vector<200x128xf32>
    %mul3A_448 = arith.mulf %get3A_445, %mul3A_447 : vector<200x128xf32>
    %add3A_449 = arith.addf %mul3A_448, %get3A_395 : vector<200x128xf32>
    %swap3A_450 = arith.constant 1 : index
    %swap3A_451 = arith.constant 0 : index
    %swap3A_452 = arith.constant 384 : index
    %swap3A_453 = vector.load %arg3[%swap3A_450, %swap3A_451, %swap3A_452] : memref<2x200x3328xf32, #tpu.memory_space<vmem>>, vector<1x200x128xf32>
    %swap3A_454 = vector.shape_cast %swap3A_453 : vector<1x200x128xf32> to vector<200x128xf32>
    %swap3A_455 = vector.shape_cast %add3A_449 : vector<200x128xf32> to vector<1x200x128xf32>
    tpu.vector_store %arg3[%swap3A_450, %swap3A_451, %swap3A_452], %swap3A_455 {strides = array<i32>} : memref<2x200x3328xf32, #tpu.memory_space<vmem>>, vector<1x200x128xf32>,
    %get3A_456 = arith.constant 1 : index
    %get3A_457 = arith.constant 0 : index
    %get3A_458 = arith.constant 512 : index
    %get3A_459 = vector.load %arg1[%get3A_456, %get3A_457, %get3A_458] : memref<2x200x3328xf32, #tpu.memory_space<vmem>>, vector<1x200x128xf32>
    %get3A_460 = vector.shape_cast %get3A_459 : vector<1x200x128xf32> to vector<200x128xf32>
    %mul3A_461 = arith.constant 11.3137083 : f32
    %mul3A_462 = vector.broadcast %mul3A_461 : f32 to vector<200x128xf32>
    %mul3A_463 = arith.mulf %get3A_460, %mul3A_462 : vector<200x128xf32>
    %add3A_464 = arith.addf %mul3A_463, %get3A_395 : vector<200x128xf32>
    %swap3A_465 = arith.constant 1 : index
    %swap3A_466 = arith.constant 0 : index
    %swap3A_467 = arith.constant 512 : index
    %swap3A_468 = vector.load %arg3[%swap3A_465, %swap3A_466, %swap3A_467] : memref<2x200x3328xf32, #tpu.memory_space<vmem>>, vector<1x200x128xf32>
    %swap3A_469 = vector.shape_cast %swap3A_468 : vector<1x200x128xf32> to vector<200x128xf32>
    %swap3A_470 = vector.shape_cast %add3A_464 : vector<200x128xf32> to vector<1x200x128xf32>
    tpu.vector_store %arg3[%swap3A_465, %swap3A_466, %swap3A_467], %swap3A_470 {strides = array<i32>} : memref<2x200x3328xf32, #tpu.memory_space<vmem>>, vector<1x200x128xf32>,
    %get3A_471 = arith.constant 1 : index
    %get3A_472 = arith.constant 0 : index
    %get3A_473 = arith.constant 640 : index
    %get3A_474 = vector.load %arg1[%get3A_471, %get3A_472, %get3A_473] : memref<2x200x3328xf32, #tpu.memory_space<vmem>>, vector<1x200x128xf32>
    %get3A_475 = vector.shape_cast %get3A_474 : vector<1x200x128xf32> to vector<200x128xf32>
    %mul3A_476 = arith.constant 11.3137083 : f32
    %mul3A_477 = vector.broadcast %mul3A_476 : f32 to vector<200x128xf32>
    %mul3A_478 = arith.mulf %get3A_475, %mul3A_477 : vector<200x128xf32>
    %add3A_479 = arith.addf %mul3A_478, %get3A_395 : vector<200x128xf32>
    %swap3A_480 = arith.constant 1 : index
    %swap3A_481 = arith.constant 0 : index
    %swap3A_482 = arith.constant 640 : index
    %swap3A_483 = vector.load %arg3[%swap3A_480, %swap3A_481, %swap3A_482] : memref<2x200x3328xf32, #tpu.memory_space<vmem>>, vector<1x200x128xf32>
    %swap3A_484 = vector.shape_cast %swap3A_483 : vector<1x200x128xf32> to vector<200x128xf32>
    %swap3A_485 = vector.shape_cast %add3A_479 : vector<200x128xf32> to vector<1x200x128xf32>
    tpu.vector_store %arg3[%swap3A_480, %swap3A_481, %swap3A_482], %swap3A_485 {strides = array<i32>} : memref<2x200x3328xf32, #tpu.memory_space<vmem>>, vector<1x200x128xf32>,
    %get3A_486 = arith.constant 1 : index
    %get3A_487 = arith.constant 0 : index
    %get3A_488 = arith.constant 768 : index
    %get3A_489 = vector.load %arg1[%get3A_486, %get3A_487, %get3A_488] : memref<2x200x3328xf32, #tpu.memory_space<vmem>>, vector<1x200x128xf32>
    %get3A_490 = vector.shape_cast %get3A_489 : vector<1x200x128xf32> to vector<200x128xf32>
    %mul3A_491 = arith.constant 11.3137083 : f32
    %mul3A_492 = vector.broadcast %mul3A_491 : f32 to vector<200x128xf32>
    %mul3A_493 = arith.mulf %get3A_490, %mul3A_492 : vector<200x128xf32>
    %add3A_494 = arith.addf %mul3A_493, %get3A_395 : vector<200x128xf32>
    %swap3A_495 = arith.constant 1 : index
    %swap3A_496 = arith.constant 0 : index
    %swap3A_497 = arith.constant 768 : index
    %swap3A_498 = vector.load %arg3[%swap3A_495, %swap3A_496, %swap3A_497] : memref<2x200x3328xf32, #tpu.memory_space<vmem>>, vector<1x200x128xf32>
    %swap3A_499 = vector.shape_cast %swap3A_498 : vector<1x200x128xf32> to vector<200x128xf32>
    %swap3A_500 = vector.shape_cast %add3A_494 : vector<200x128xf32> to vector<1x200x128xf32>
    tpu.vector_store %arg3[%swap3A_495, %swap3A_496, %swap3A_497], %swap3A_500 {strides = array<i32>} : memref<2x200x3328xf32, #tpu.memory_space<vmem>>, vector<1x200x128xf32>,
    %get3A_501 = arith.constant 1 : index
    %get3A_502 = arith.constant 0 : index
    %get3A_503 = arith.constant 896 : index
    %get3A_504 = vector.load %arg1[%get3A_501, %get3A_502, %get3A_503] : memref<2x200x3328xf32, #tpu.memory_space<vmem>>, vector<1x200x128xf32>
    %get3A_505 = vector.shape_cast %get3A_504 : vector<1x200x128xf32> to vector<200x128xf32>
    %mul3A_506 = arith.constant 11.3137083 : f32
    %mul3A_507 = vector.broadcast %mul3A_506 : f32 to vector<200x128xf32>
    %mul3A_508 = arith.mulf %get3A_505, %mul3A_507 : vector<200x128xf32>
    %add3A_509 = arith.addf %mul3A_508, %get3A_395 : vector<200x128xf32>
    %swap3A_510 = arith.constant 1 : index
    %swap3A_511 = arith.constant 0 : index
    %swap3A_512 = arith.constant 896 : index
    %swap3A_513 = vector.load %arg3[%swap3A_510, %swap3A_511, %swap3A_512] : memref<2x200x3328xf32, #tpu.memory_space<vmem>>, vector<1x200x128xf32>
    %swap3A_514 = vector.shape_cast %swap3A_513 : vector<1x200x128xf32> to vector<200x128xf32>
    %swap3A_515 = vector.shape_cast %add3A_509 : vector<200x128xf32> to vector<1x200x128xf32>
    tpu.vector_store %arg3[%swap3A_510, %swap3A_511, %swap3A_512], %swap3A_515 {strides = array<i32>} : memref<2x200x3328xf32, #tpu.memory_space<vmem>>, vector<1x200x128xf32>,
    %get3A_516 = arith.constant 1 : index
    %get3A_517 = arith.constant 0 : index
    %get3A_518 = arith.constant 1024 : index
    %get3A_519 = vector.load %arg1[%get3A_516, %get3A_517, %get3A_518] : memref<2x200x3328xf32, #tpu.memory_space<vmem>>, vector<1x200x128xf32>
    %get3A_520 = vector.shape_cast %get3A_519 : vector<1x200x128xf32> to vector<200x128xf32>
    %mul3A_521 = arith.constant 11.3137083 : f32
    %mul3A_522 = vector.broadcast %mul3A_521 : f32 to vector<200x128xf32>
    %mul3A_523 = arith.mulf %get3A_520, %mul3A_522 : vector<200x128xf32>
    %add3A_524 = arith.addf %mul3A_523, %get3A_395 : vector<200x128xf32>
    %swap3A_525 = arith.constant 1 : index
    %swap3A_526 = arith.constant 0 : index
    %swap3A_527 = arith.constant 1024 : index
    %swap3A_528 = vector.load %arg3[%swap3A_525, %swap3A_526, %swap3A_527] : memref<2x200x3328xf32, #tpu.memory_space<vmem>>, vector<1x200x128xf32>
    %swap3A_529 = vector.shape_cast %swap3A_528 : vector<1x200x128xf32> to vector<200x128xf32>
    %swap3A_530 = vector.shape_cast %add3A_524 : vector<200x128xf32> to vector<1x200x128xf32>
    tpu.vector_store %arg3[%swap3A_525, %swap3A_526, %swap3A_527], %swap3A_530 {strides = array<i32>} : memref<2x200x3328xf32, #tpu.memory_space<vmem>>, vector<1x200x128xf32>,
    %get3A_531 = arith.constant 1 : index
    %get3A_532 = arith.constant 0 : index
    %get3A_533 = arith.constant 1152 : index
    %get3A_534 = vector.load %arg1[%get3A_531, %get3A_532, %get3A_533] : memref<2x200x3328xf32, #tpu.memory_space<vmem>>, vector<1x200x128xf32>
    %get3A_535 = vector.shape_cast %get3A_534 : vector<1x200x128xf32> to vector<200x128xf32>
    %mul3A_536 = arith.constant 11.3137083 : f32
    %mul3A_537 = vector.broadcast %mul3A_536 : f32 to vector<200x128xf32>
    %mul3A_538 = arith.mulf %get3A_535, %mul3A_537 : vector<200x128xf32>
    %add3A_539 = arith.addf %mul3A_538, %get3A_395 : vector<200x128xf32>
    %swap3A_540 = arith.constant 1 : index
    %swap3A_541 = arith.constant 0 : index
    %swap3A_542 = arith.constant 1152 : index
    %swap3A_543 = vector.load %arg3[%swap3A_540, %swap3A_541, %swap3A_542] : memref<2x200x3328xf32, #tpu.memory_space<vmem>>, vector<1x200x128xf32>
    %swap3A_544 = vector.shape_cast %swap3A_543 : vector<1x200x128xf32> to vector<200x128xf32>
    %swap3A_545 = vector.shape_cast %add3A_539 : vector<200x128xf32> to vector<1x200x128xf32>
    tpu.vector_store %arg3[%swap3A_540, %swap3A_541, %swap3A_542], %swap3A_545 {strides = array<i32>} : memref<2x200x3328xf32, #tpu.memory_space<vmem>>, vector<1x200x128xf32>,
    %get3A_546 = arith.constant 1 : index
    %get3A_547 = arith.constant 0 : index
    %get3A_548 = arith.constant 1280 : index
    %get3A_549 = vector.load %arg1[%get3A_546, %get3A_547, %get3A_548] : memref<2x200x3328xf32, #tpu.memory_space<vmem>>, vector<1x200x128xf32>
    %get3A_550 = vector.shape_cast %get3A_549 : vector<1x200x128xf32> to vector<200x128xf32>
    %mul3A_551 = arith.constant 11.3137083 : f32
    %mul3A_552 = vector.broadcast %mul3A_551 : f32 to vector<200x128xf32>
    %mul3A_553 = arith.mulf %get3A_550, %mul3A_552 : vector<200x128xf32>
    %add3A_554 = arith.addf %mul3A_553, %get3A_395 : vector<200x128xf32>
    %swap3A_555 = arith.constant 1 : index
    %swap3A_556 = arith.constant 0 : index
    %swap3A_557 = arith.constant 1280 : index
    %swap3A_558 = vector.load %arg3[%swap3A_555, %swap3A_556, %swap3A_557] : memref<2x200x3328xf32, #tpu.memory_space<vmem>>, vector<1x200x128xf32>
    %swap3A_559 = vector.shape_cast %swap3A_558 : vector<1x200x128xf32> to vector<200x128xf32>
    %swap3A_560 = vector.shape_cast %add3A_554 : vector<200x128xf32> to vector<1x200x128xf32>
    tpu.vector_store %arg3[%swap3A_555, %swap3A_556, %swap3A_557], %swap3A_560 {strides = array<i32>} : memref<2x200x3328xf32, #tpu.memory_space<vmem>>, vector<1x200x128xf32>,
    %get3A_561 = arith.constant 1 : index
    %get3A_562 = arith.constant 0 : index
    %get3A_563 = arith.constant 1408 : index
    %get3A_564 = vector.load %arg1[%get3A_561, %get3A_562, %get3A_563] : memref<2x200x3328xf32, #tpu.memory_space<vmem>>, vector<1x200x128xf32>
    %get3A_565 = vector.shape_cast %get3A_564 : vector<1x200x128xf32> to vector<200x128xf32>
    %mul3A_566 = arith.constant 11.3137083 : f32
    %mul3A_567 = vector.broadcast %mul3A_566 : f32 to vector<200x128xf32>
    %mul3A_568 = arith.mulf %get3A_565, %mul3A_567 : vector<200x128xf32>
    %add3A_569 = arith.addf %mul3A_568, %get3A_395 : vector<200x128xf32>
    %swap3A_570 = arith.constant 1 : index
    %swap3A_571 = arith.constant 0 : index
    %swap3A_572 = arith.constant 1408 : index
    %swap3A_573 = vector.load %arg3[%swap3A_570, %swap3A_571, %swap3A_572] : memref<2x200x3328xf32, #tpu.memory_space<vmem>>, vector<1x200x128xf32>
    %swap3A_574 = vector.shape_cast %swap3A_573 : vector<1x200x128xf32> to vector<200x128xf32>
    %swap3A_575 = vector.shape_cast %add3A_569 : vector<200x128xf32> to vector<1x200x128xf32>
    tpu.vector_store %arg3[%swap3A_570, %swap3A_571, %swap3A_572], %swap3A_575 {strides = array<i32>} : memref<2x200x3328xf32, #tpu.memory_space<vmem>>, vector<1x200x128xf32>,
    %get3A_576 = arith.constant 1 : index
    %get3A_577 = arith.constant 0 : index
    %get3A_578 = arith.constant 1536 : index
    %get3A_579 = vector.load %arg1[%get3A_576, %get3A_577, %get3A_578] : memref<2x200x3328xf32, #tpu.memory_space<vmem>>, vector<1x200x128xf32>
    %get3A_580 = vector.shape_cast %get3A_579 : vector<1x200x128xf32> to vector<200x128xf32>
    %mul3A_581 = arith.constant 11.3137083 : f32
    %mul3A_582 = vector.broadcast %mul3A_581 : f32 to vector<200x128xf32>
    %mul3A_583 = arith.mulf %get3A_580, %mul3A_582 : vector<200x128xf32>
    %add3A_584 = arith.addf %mul3A_583, %get3A_395 : vector<200x128xf32>
    %swap3A_585 = arith.constant 1 : index
    %swap3A_586 = arith.constant 0 : index
    %swap3A_587 = arith.constant 1536 : index
    %swap3A_588 = vector.load %arg3[%swap3A_585, %swap3A_586, %swap3A_587] : memref<2x200x3328xf32, #tpu.memory_space<vmem>>, vector<1x200x128xf32>
    %swap3A_589 = vector.shape_cast %swap3A_588 : vector<1x200x128xf32> to vector<200x128xf32>
    %swap3A_590 = vector.shape_cast %add3A_584 : vector<200x128xf32> to vector<1x200x128xf32>
    tpu.vector_store %arg3[%swap3A_585, %swap3A_586, %swap3A_587], %swap3A_590 {strides = array<i32>} : memref<2x200x3328xf32, #tpu.memory_space<vmem>>, vector<1x200x128xf32>,
    %get3A_591 = arith.constant 1 : index
    %get3A_592 = arith.constant 0 : index
    %get3A_593 = arith.constant 1664 : index
    %get3A_594 = vector.load %arg1[%get3A_591, %get3A_592, %get3A_593] : memref<2x200x3328xf32, #tpu.memory_space<vmem>>, vector<1x200x128xf32>
    %get3A_595 = vector.shape_cast %get3A_594 : vector<1x200x128xf32> to vector<200x128xf32>
    %mul3A_596 = arith.constant 11.3137083 : f32
    %mul3A_597 = vector.broadcast %mul3A_596 : f32 to vector<200x128xf32>
    %mul3A_598 = arith.mulf %get3A_595, %mul3A_597 : vector<200x128xf32>
    %add3A_599 = arith.addf %mul3A_598, %get3A_395 : vector<200x128xf32>
    %swap3A_600 = arith.constant 1 : index
    %swap3A_601 = arith.constant 0 : index
    %swap3A_602 = arith.constant 1664 : index
    %swap3A_603 = vector.load %arg3[%swap3A_600, %swap3A_601, %swap3A_602] : memref<2x200x3328xf32, #tpu.memory_space<vmem>>, vector<1x200x128xf32>
    %swap3A_604 = vector.shape_cast %swap3A_603 : vector<1x200x128xf32> to vector<200x128xf32>
    %swap3A_605 = vector.shape_cast %add3A_599 : vector<200x128xf32> to vector<1x200x128xf32>
    tpu.vector_store %arg3[%swap3A_600, %swap3A_601, %swap3A_602], %swap3A_605 {strides = array<i32>} : memref<2x200x3328xf32, #tpu.memory_space<vmem>>, vector<1x200x128xf32>,
    %get3A_606 = arith.constant 1 : index
    %get3A_607 = arith.constant 0 : index
    %get3A_608 = arith.constant 1792 : index
    %get3A_609 = vector.load %arg1[%get3A_606, %get3A_607, %get3A_608] : memref<2x200x3328xf32, #tpu.memory_space<vmem>>, vector<1x200x128xf32>
    %get3A_610 = vector.shape_cast %get3A_609 : vector<1x200x128xf32> to vector<200x128xf32>
    %mul3A_611 = arith.constant 11.3137083 : f32
    %mul3A_612 = vector.broadcast %mul3A_611 : f32 to vector<200x128xf32>
    %mul3A_613 = arith.mulf %get3A_610, %mul3A_612 : vector<200x128xf32>
    %add3A_614 = arith.addf %mul3A_613, %get3A_395 : vector<200x128xf32>
    %swap3A_615 = arith.constant 1 : index
    %swap3A_616 = arith.constant 0 : index
    %swap3A_617 = arith.constant 1792 : index
    %swap3A_618 = vector.load %arg3[%swap3A_615, %swap3A_616, %swap3A_617] : memref<2x200x3328xf32, #tpu.memory_space<vmem>>, vector<1x200x128xf32>
    %swap3A_619 = vector.shape_cast %swap3A_618 : vector<1x200x128xf32> to vector<200x128xf32>
    %swap3A_620 = vector.shape_cast %add3A_614 : vector<200x128xf32> to vector<1x200x128xf32>
    tpu.vector_store %arg3[%swap3A_615, %swap3A_616, %swap3A_617], %swap3A_620 {strides = array<i32>} : memref<2x200x3328xf32, #tpu.memory_space<vmem>>, vector<1x200x128xf32>,
    %get3A_621 = arith.constant 1 : index
    %get3A_622 = arith.constant 0 : index
    %get3A_623 = arith.constant 1920 : index
    %get3A_624 = vector.load %arg1[%get3A_621, %get3A_622, %get3A_623] : memref<2x200x3328xf32, #tpu.memory_space<vmem>>, vector<1x200x128xf32>
    %get3A_625 = vector.shape_cast %get3A_624 : vector<1x200x128xf32> to vector<200x128xf32>
    %mul3A_626 = arith.constant 11.3137083 : f32
    %mul3A_627 = vector.broadcast %mul3A_626 : f32 to vector<200x128xf32>
    %mul3A_628 = arith.mulf %get3A_625, %mul3A_627 : vector<200x128xf32>
    %add3A_629 = arith.addf %mul3A_628, %get3A_395 : vector<200x128xf32>
    %swap3A_630 = arith.constant 1 : index
    %swap3A_631 = arith.constant 0 : index
    %swap3A_632 = arith.constant 1920 : index
    %swap3A_633 = vector.load %arg3[%swap3A_630, %swap3A_631, %swap3A_632] : memref<2x200x3328xf32, #tpu.memory_space<vmem>>, vector<1x200x128xf32>
    %swap3A_634 = vector.shape_cast %swap3A_633 : vector<1x200x128xf32> to vector<200x128xf32>
    %swap3A_635 = vector.shape_cast %add3A_629 : vector<200x128xf32> to vector<1x200x128xf32>
    tpu.vector_store %arg3[%swap3A_630, %swap3A_631, %swap3A_632], %swap3A_635 {strides = array<i32>} : memref<2x200x3328xf32, #tpu.memory_space<vmem>>, vector<1x200x128xf32>,
    %get3A_636 = arith.constant 1 : index
    %get3A_637 = arith.constant 0 : index
    %get3A_638 = arith.constant 2048 : index
    %get3A_639 = vector.load %arg1[%get3A_636, %get3A_637, %get3A_638] : memref<2x200x3328xf32, #tpu.memory_space<vmem>>, vector<1x200x128xf32>
    %get3A_640 = vector.shape_cast %get3A_639 : vector<1x200x128xf32> to vector<200x128xf32>
    %mul3A_641 = arith.constant 11.3137083 : f32
    %mul3A_642 = vector.broadcast %mul3A_641 : f32 to vector<200x128xf32>
    %mul3A_643 = arith.mulf %get3A_640, %mul3A_642 : vector<200x128xf32>
    %add3A_644 = arith.addf %mul3A_643, %get3A_395 : vector<200x128xf32>
    %swap3A_645 = arith.constant 1 : index
    %swap3A_646 = arith.constant 0 : index
    %swap3A_647 = arith.constant 2048 : index
    %swap3A_648 = vector.load %arg3[%swap3A_645, %swap3A_646, %swap3A_647] : memref<2x200x3328xf32, #tpu.memory_space<vmem>>, vector<1x200x128xf32>
    %swap3A_649 = vector.shape_cast %swap3A_648 : vector<1x200x128xf32> to vector<200x128xf32>
    %swap3A_650 = vector.shape_cast %add3A_644 : vector<200x128xf32> to vector<1x200x128xf32>
    tpu.vector_store %arg3[%swap3A_645, %swap3A_646, %swap3A_647], %swap3A_650 {strides = array<i32>} : memref<2x200x3328xf32, #tpu.memory_space<vmem>>, vector<1x200x128xf32>,
    %get3A_651 = arith.constant 1 : index
    %get3A_652 = arith.constant 0 : index
    %get3A_653 = arith.constant 2176 : index
    %get3A_654 = vector.load %arg1[%get3A_651, %get3A_652, %get3A_653] : memref<2x200x3328xf32, #tpu.memory_space<vmem>>, vector<1x200x128xf32>
    %get3A_655 = vector.shape_cast %get3A_654 : vector<1x200x128xf32> to vector<200x128xf32>
    %mul3A_656 = arith.constant 11.3137083 : f32
    %mul3A_657 = vector.broadcast %mul3A_656 : f32 to vector<200x128xf32>
    %mul3A_658 = arith.mulf %get3A_655, %mul3A_657 : vector<200x128xf32>
    %add3A_659 = arith.addf %mul3A_658, %get3A_395 : vector<200x128xf32>
    %swap3A_660 = arith.constant 1 : index
    %swap3A_661 = arith.constant 0 : index
    %swap3A_662 = arith.constant 2176 : index
    %swap3A_663 = vector.load %arg3[%swap3A_660, %swap3A_661, %swap3A_662] : memref<2x200x3328xf32, #tpu.memory_space<vmem>>, vector<1x200x128xf32>
    %swap3A_664 = vector.shape_cast %swap3A_663 : vector<1x200x128xf32> to vector<200x128xf32>
    %swap3A_665 = vector.shape_cast %add3A_659 : vector<200x128xf32> to vector<1x200x128xf32>
    tpu.vector_store %arg3[%swap3A_660, %swap3A_661, %swap3A_662], %swap3A_665 {strides = array<i32>} : memref<2x200x3328xf32, #tpu.memory_space<vmem>>, vector<1x200x128xf32>,
    %get3A_666 = arith.constant 1 : index
    %get3A_667 = arith.constant 0 : index
    %get3A_668 = arith.constant 2304 : index
    %get3A_669 = vector.load %arg1[%get3A_666, %get3A_667, %get3A_668] : memref<2x200x3328xf32, #tpu.memory_space<vmem>>, vector<1x200x128xf32>
    %get3A_670 = vector.shape_cast %get3A_669 : vector<1x200x128xf32> to vector<200x128xf32>
    %mul3A_671 = arith.constant 11.3137083 : f32
    %mul3A_672 = vector.broadcast %mul3A_671 : f32 to vector<200x128xf32>
    %mul3A_673 = arith.mulf %get3A_670, %mul3A_672 : vector<200x128xf32>
    %add3A_674 = arith.addf %mul3A_673, %get3A_395 : vector<200x128xf32>
    %swap3A_675 = arith.constant 1 : index
    %swap3A_676 = arith.constant 0 : index
    %swap3A_677 = arith.constant 2304 : index
    %swap3A_678 = vector.load %arg3[%swap3A_675, %swap3A_676, %swap3A_677] : memref<2x200x3328xf32, #tpu.memory_space<vmem>>, vector<1x200x128xf32>
    %swap3A_679 = vector.shape_cast %swap3A_678 : vector<1x200x128xf32> to vector<200x128xf32>
    %swap3A_680 = vector.shape_cast %add3A_674 : vector<200x128xf32> to vector<1x200x128xf32>
    tpu.vector_store %arg3[%swap3A_675, %swap3A_676, %swap3A_677], %swap3A_680 {strides = array<i32>} : memref<2x200x3328xf32, #tpu.memory_space<vmem>>, vector<1x200x128xf32>,
    %get3A_681 = arith.constant 1 : index
    %get3A_682 = arith.constant 0 : index
    %get3A_683 = arith.constant 2432 : index
    %get3A_684 = vector.load %arg1[%get3A_681, %get3A_682, %get3A_683] : memref<2x200x3328xf32, #tpu.memory_space<vmem>>, vector<1x200x128xf32>
    %get3A_685 = vector.shape_cast %get3A_684 : vector<1x200x128xf32> to vector<200x128xf32>
    %mul3A_686 = arith.constant 11.3137083 : f32
    %mul3A_687 = vector.broadcast %mul3A_686 : f32 to vector<200x128xf32>
    %mul3A_688 = arith.mulf %get3A_685, %mul3A_687 : vector<200x128xf32>
    %add3A_689 = arith.addf %mul3A_688, %get3A_395 : vector<200x128xf32>
    %swap3A_690 = arith.constant 1 : index
    %swap3A_691 = arith.constant 0 : index
    %swap3A_692 = arith.constant 2432 : index
    %swap3A_693 = vector.load %arg3[%swap3A_690, %swap3A_691, %swap3A_692] : memref<2x200x3328xf32, #tpu.memory_space<vmem>>, vector<1x200x128xf32>
    %swap3A_694 = vector.shape_cast %swap3A_693 : vector<1x200x128xf32> to vector<200x128xf32>
    %swap3A_695 = vector.shape_cast %add3A_689 : vector<200x128xf32> to vector<1x200x128xf32>
    tpu.vector_store %arg3[%swap3A_690, %swap3A_691, %swap3A_692], %swap3A_695 {strides = array<i32>} : memref<2x200x3328xf32, #tpu.memory_space<vmem>>, vector<1x200x128xf32>,
    %get3A_696 = arith.constant 1 : index
    %get3A_697 = arith.constant 0 : index
    %get3A_698 = arith.constant 2560 : index
    %get3A_699 = vector.load %arg1[%get3A_696, %get3A_697, %get3A_698] : memref<2x200x3328xf32, #tpu.memory_space<vmem>>, vector<1x200x128xf32>
    %get3A_700 = vector.shape_cast %get3A_699 : vector<1x200x128xf32> to vector<200x128xf32>
    %mul3A_701 = arith.constant 11.3137083 : f32
    %mul3A_702 = vector.broadcast %mul3A_701 : f32 to vector<200x128xf32>
    %mul3A_703 = arith.mulf %get3A_700, %mul3A_702 : vector<200x128xf32>
    %add3A_704 = arith.addf %mul3A_703, %get3A_395 : vector<200x128xf32>
    %swap3A_705 = arith.constant 1 : index
    %swap3A_706 = arith.constant 0 : index
    %swap3A_707 = arith.constant 2560 : index
    %swap3A_708 = vector.load %arg3[%swap3A_705, %swap3A_706, %swap3A_707] : memref<2x200x3328xf32, #tpu.memory_space<vmem>>, vector<1x200x128xf32>
    %swap3A_709 = vector.shape_cast %swap3A_708 : vector<1x200x128xf32> to vector<200x128xf32>
    %swap3A_710 = vector.shape_cast %add3A_704 : vector<200x128xf32> to vector<1x200x128xf32>
    tpu.vector_store %arg3[%swap3A_705, %swap3A_706, %swap3A_707], %swap3A_710 {strides = array<i32>} : memref<2x200x3328xf32, #tpu.memory_space<vmem>>, vector<1x200x128xf32>,
    %get3A_711 = arith.constant 1 : index
    %get3A_712 = arith.constant 0 : index
    %get3A_713 = arith.constant 2688 : index
    %get3A_714 = vector.load %arg1[%get3A_711, %get3A_712, %get3A_713] : memref<2x200x3328xf32, #tpu.memory_space<vmem>>, vector<1x200x128xf32>
    %get3A_715 = vector.shape_cast %get3A_714 : vector<1x200x128xf32> to vector<200x128xf32>
    %mul3A_716 = arith.constant 11.3137083 : f32
    %mul3A_717 = vector.broadcast %mul3A_716 : f32 to vector<200x128xf32>
    %mul3A_718 = arith.mulf %get3A_715, %mul3A_717 : vector<200x128xf32>
    %add3A_719 = arith.addf %mul3A_718, %get3A_395 : vector<200x128xf32>
    %swap3A_720 = arith.constant 1 : index
    %swap3A_721 = arith.constant 0 : index
    %swap3A_722 = arith.constant 2688 : index
    %swap3A_723 = vector.load %arg3[%swap3A_720, %swap3A_721, %swap3A_722] : memref<2x200x3328xf32, #tpu.memory_space<vmem>>, vector<1x200x128xf32>
    %swap3A_724 = vector.shape_cast %swap3A_723 : vector<1x200x128xf32> to vector<200x128xf32>
    %swap3A_725 = vector.shape_cast %add3A_719 : vector<200x128xf32> to vector<1x200x128xf32>
    tpu.vector_store %arg3[%swap3A_720, %swap3A_721, %swap3A_722], %swap3A_725 {strides = array<i32>} : memref<2x200x3328xf32, #tpu.memory_space<vmem>>, vector<1x200x128xf32>,
    %get3A_726 = arith.constant 1 : index
    %get3A_727 = arith.constant 0 : index
    %get3A_728 = arith.constant 2816 : index
    %get3A_729 = vector.load %arg1[%get3A_726, %get3A_727, %get3A_728] : memref<2x200x3328xf32, #tpu.memory_space<vmem>>, vector<1x200x128xf32>
    %get3A_730 = vector.shape_cast %get3A_729 : vector<1x200x128xf32> to vector<200x128xf32>
    %mul3A_731 = arith.constant 11.3137083 : f32
    %mul3A_732 = vector.broadcast %mul3A_731 : f32 to vector<200x128xf32>
    %mul3A_733 = arith.mulf %get3A_730, %mul3A_732 : vector<200x128xf32>
    %add3A_734 = arith.addf %mul3A_733, %get3A_395 : vector<200x128xf32>
    %swap3A_735 = arith.constant 1 : index
    %swap3A_736 = arith.constant 0 : index
    %swap3A_737 = arith.constant 2816 : index
    %swap3A_738 = vector.load %arg3[%swap3A_735, %swap3A_736, %swap3A_737] : memref<2x200x3328xf32, #tpu.memory_space<vmem>>, vector<1x200x128xf32>
    %swap3A_739 = vector.shape_cast %swap3A_738 : vector<1x200x128xf32> to vector<200x128xf32>
    %swap3A_740 = vector.shape_cast %add3A_734 : vector<200x128xf32> to vector<1x200x128xf32>
    tpu.vector_store %arg3[%swap3A_735, %swap3A_736, %swap3A_737], %swap3A_740 {strides = array<i32>} : memref<2x200x3328xf32, #tpu.memory_space<vmem>>, vector<1x200x128xf32>,
    %get3A_741 = arith.constant 1 : index
    %get3A_742 = arith.constant 0 : index
    %get3A_743 = arith.constant 2944 : index
    %get3A_744 = vector.load %arg1[%get3A_741, %get3A_742, %get3A_743] : memref<2x200x3328xf32, #tpu.memory_space<vmem>>, vector<1x200x128xf32>
    %get3A_745 = vector.shape_cast %get3A_744 : vector<1x200x128xf32> to vector<200x128xf32>
    %mul3A_746 = arith.constant 11.3137083 : f32
    %mul3A_747 = vector.broadcast %mul3A_746 : f32 to vector<200x128xf32>
    %mul3A_748 = arith.mulf %get3A_745, %mul3A_747 : vector<200x128xf32>
    %add3A_749 = arith.addf %mul3A_748, %get3A_395 : vector<200x128xf32>
    %swap3A_750 = arith.constant 1 : index
    %swap3A_751 = arith.constant 0 : index
    %swap3A_752 = arith.constant 2944 : index
    %swap3A_753 = vector.load %arg3[%swap3A_750, %swap3A_751, %swap3A_752] : memref<2x200x3328xf32, #tpu.memory_space<vmem>>, vector<1x200x128xf32>
    %swap3A_754 = vector.shape_cast %swap3A_753 : vector<1x200x128xf32> to vector<200x128xf32>
    %swap3A_755 = vector.shape_cast %add3A_749 : vector<200x128xf32> to vector<1x200x128xf32>
    tpu.vector_store %arg3[%swap3A_750, %swap3A_751, %swap3A_752], %swap3A_755 {strides = array<i32>} : memref<2x200x3328xf32, #tpu.memory_space<vmem>>, vector<1x200x128xf32>,
    %get3A_756 = arith.constant 1 : index
    %get3A_757 = arith.constant 0 : index
    %get3A_758 = arith.constant 3072 : index
    %get3A_759 = vector.load %arg1[%get3A_756, %get3A_757, %get3A_758] : memref<2x200x3328xf32, #tpu.memory_space<vmem>>, vector<1x200x128xf32>
    %get3A_760 = vector.shape_cast %get3A_759 : vector<1x200x128xf32> to vector<200x128xf32>
    %mul3A_761 = arith.constant 11.3137083 : f32
    %mul3A_762 = vector.broadcast %mul3A_761 : f32 to vector<200x128xf32>
    %mul3A_763 = arith.mulf %get3A_760, %mul3A_762 : vector<200x128xf32>
    %add3A_764 = arith.addf %mul3A_763, %get3A_395 : vector<200x128xf32>
    %swap3A_765 = arith.constant 1 : index
    %swap3A_766 = arith.constant 0 : index
    %swap3A_767 = arith.constant 3072 : index
    %swap3A_768 = vector.load %arg3[%swap3A_765, %swap3A_766, %swap3A_767] : memref<2x200x3328xf32, #tpu.memory_space<vmem>>, vector<1x200x128xf32>
    %swap3A_769 = vector.shape_cast %swap3A_768 : vector<1x200x128xf32> to vector<200x128xf32>
    %swap3A_770 = vector.shape_cast %add3A_764 : vector<200x128xf32> to vector<1x200x128xf32>
    tpu.vector_store %arg3[%swap3A_765, %swap3A_766, %swap3A_767], %swap3A_770 {strides = array<i32>} : memref<2x200x3328xf32, #tpu.memory_space<vmem>>, vector<1x200x128xf32>,
    %get3A_771 = arith.constant 1 : index
    %get3A_772 = arith.constant 0 : index
    %get3A_773 = arith.constant 3200 : index
    %get3A_774 = vector.load %arg1[%get3A_771, %get3A_772, %get3A_773] : memref<2x200x3328xf32, #tpu.memory_space<vmem>>, vector<1x200x128xf32>
    %get3A_775 = vector.shape_cast %get3A_774 : vector<1x200x128xf32> to vector<200x128xf32>
    %mul3A_776 = arith.constant 11.3137083 : f32
    %mul3A_777 = vector.broadcast %mul3A_776 : f32 to vector<200x128xf32>
    %mul3A_778 = arith.mulf %get3A_775, %mul3A_777 : vector<200x128xf32>
    %add3A_779 = arith.addf %mul3A_778, %get3A_395 : vector<200x128xf32>
    %swap3A_780 = arith.constant 1 : index
    %swap3A_781 = arith.constant 0 : index
    %swap3A_782 = arith.constant 3200 : index
    %swap3A_783 = vector.load %arg3[%swap3A_780, %swap3A_781, %swap3A_782] : memref<2x200x3328xf32, #tpu.memory_space<vmem>>, vector<1x200x128xf32>
    %swap3A_784 = vector.shape_cast %swap3A_783 : vector<1x200x128xf32> to vector<200x128xf32>
    %swap3A_785 = vector.shape_cast %add3A_779 : vector<200x128xf32> to vector<1x200x128xf32>
    tpu.vector_store %arg3[%swap3A_780, %swap3A_781, %swap3A_782], %swap3A_785 {strides = array<i32>} : memref<2x200x3328xf32, #tpu.memory_space<vmem>>, vector<1x200x128xf32>,
    return
  }
  func.func @transform_0(%arg0: i32) -> (i32, i32, i32) {
    %c0_i32 = arith.constant 0 : i32
    %c0_i32_0 = arith.constant 0 : i32
    %c0_i32_1 = arith.constant 0 : i32
    return %arg0, %c0_i32, %c0_i32_0 : i32, i32, i32
  }
  func.func @transform_1(%arg0: i32) -> (i32, i32, i32) {
    %c0_i32 = arith.constant 0 : i32
    %c0_i32_0 = arith.constant 0 : i32
    %c0_i32_1 = arith.constant 0 : i32
    return %arg0, %c0_i32, %c0_i32_0 : i32, i32, i32
  }
  func.func @transform_2(%arg0: i32) -> (i32, i32, i32) {
    %c0_i32 = arith.constant 0 : i32
    %c0_i32_0 = arith.constant 0 : i32
    %c0_i32_1 = arith.constant 0 : i32
    return %arg0, %c0_i32, %c0_i32_0 : i32, i32, i32
  }
}

</mosaic_0001>

<sc_bundles>
// kernel: kernel.4.cloned.1.call-start
scs
__scs_entry_jumppad:
0x0: {  	(pc) =	sbr.rel $0x88, $3  }
0x1: {  	(tag) =	ssettag $0x0;
	lr =	simm.s32 $0x1  }
0x2: {  	[smem:$0x3F9D] =	sst lr;
	_ =	strace $0xD0000000  }
0x3: {  	_ = 	snop  }
0x4: {  	_ = 	snop  }
0x5: {  	_ = 	snop  }
0x6: {  	_ = 	snop  }
0x7: {  	_ = 	snop  }
__scs_overlays_trampoline_lowered:
0x8: {  	[smem:$0x3FAC] =	sst s0  }
0x9: {  	[smem:$0x3FAD] =	sst s1  }
0xa: {  	[smem:$0x3FAE] =	sst s2  }
0xb: {  	[smem:$0x3FAF] =	sst s3  }
0xc: {  	[smem:$0x3FB0] =	sst s4  }
0xd: {  	[smem:$0x3FB1] =	sst s5  }
0xe: {  	[smem:$0x3FB2] =	sst s6  }
0xf: {  	[smem:$0x3FB3] =	sst s7  }
0x10: {  	[smem:$0x3FB4] =	sst s8  }
0x11: {  	[smem:$0x3FB5] =	sst s9;
	s0 =	simm.s32 @!p0 $0x0  }
0x12: {  	s1 =	sld [smem:$0x3F9B];
	s0 =	simm.s32 @p0 $0x1  }
0x13: {  	[smem:$0x3FB6] =	sst s0;
	s0 =	simm.s32 @!p1 $0x0  }
0x14: {  	s2 =	sld [smem:$0x3F9A];
	s0 =	simm.s32 @p1 $0x1  }
0x15: {  	[smem:$0x3FB7] =	sst s0;
	s0 =	simm.s32 @!p2 $0x0  }
0x16: {  	s3 =	sld [smem:$0x3FDB];
	s0 =	simm.s32 @p2 $0x1  }
0x17: {  	s4 =	simm.s32 $0x1BF5;
	[smem:$0x3FB9] =	sst s0  }
0x18: {  	s0 =	sld [smem:$0x3F9C];
	_ =	swait.ge [sflag:s4], $0x0  }
0x19: {  	s7 =	sld [smem:$0x3F9D]  }
0x1a: {  	s8 =	sadd.s32 $0xFFFFE003, lr  }
0x1b: {  	s9 =	sadd.s32 $0xFFFFFEF7, lr;
	s5 =	simm.s32 $0xFFFFFFFF;
	p2 =	slt.u32 s8, $0xFFFFF086  }
0x1c: {  	p1 =	slt.u32 s9, $0xF7A;
	s5 =	simm.s32 @!p2 $0x0  }
0x1d: {  	s5 =	simm.s32 @p1 $0x1;
	p0 =	seq.s32 s7, s2  }
0x1e: {  	s7 =	smul.u32 @!p0 $0xF7A, s2;
	p2 =	seq.s32 @!p0 s5, $0x0  }
0x1f: {  	s9 =	smul.u32 $0xF7A, s1;
	s8 =	simm.s32 @!p0 $0x1BF5;
	p2 =	por !p2, p0  }
0x20: {  	[sflag:s8] =	ssyncset.s32 @!p0 $0xFFFFF086;
	s6 =	sadd.s32 @!p0 s3, s7;
	s7 =	simm.s32 @!p0 $0x108  }
0x21: {  	s3 =	sadd.s32 s3, s9;
	s6 =	sadd.s32 @!p0 $0x88, s6;
	s7 =	simm.s32 @p2 $0x1082  }
0x22: {  	[simem:s7], [sflag:s8] =	dma.local @!p0 [hbm:s6], $0xF7A  }
0x23: {  	s9 =	sor.u32 $0xD0000000, s2;
	s6 =	simm.s32 $0x108;
	_ =	swait.ge @!p0 [sflag:s8], $0x0  }
0x24: {  	s3 =	sadd.s32 $0x88, s3;
	s6 =	simm.s32 @!p1 $0x1082;
	[sflag:s4] =	ssyncset.s32 $0xFFFFF086  }
0x25: {  	[simem:s6], [sflag:s4] =	dma.local [hbm:s3], $0xF7A  }
0x26: {  	[smem:$0x3F9D] =	sst s1;
	(tag) =	ssettag s2;
	_ =	strace s9  }
0x27: {  	s1 =	sld [smem:$0x3FAD]  }
0x28: {  	s2 =	sld [smem:$0x3FAE]  }
0x29: {  	s4 =	sld [smem:$0x3FB0]  }
0x2a: {  	p0 =	seq.s32 s5, $0x0;
	s5 =	sld [smem:$0x3FB1]  }
0x2b: {  	s6 =	sld [smem:$0x3FB2]  }
0x2c: {  	s7 =	sld [smem:$0x3FB3]  }
0x2d: {  	s3 =	simm.s32 $0x108;
	s8 =	sld [smem:$0x3FB4]  }
0x2e: {  	s3 =	simm.s32 @!p0 $0x1082;
	s9 =	sld [smem:$0x3FB5]  }
0x2f: {  	lr =	sadd.s32 s0, s3;
	s0 =	sld [smem:$0x3FAC]  }
0x30: {  	s3 =	sld [smem:$0x3FAF]  }
0x31: {  	[smem:$0x3FB8] =	sst s10  }
0x32: {  	s10 =	sld [smem:$0x3FB6];
	_ =	sdelay $0x3  }
0x33: {  	p0 =	seq.s32 s10, $0x1;
	s10 =	sld [smem:$0x3FB8];
	_ =	sdelay $0x3  }
0x34: {  	[smem:$0x3FB8] =	sst s10  }
0x35: {  	s10 =	sld [smem:$0x3FB7];
	_ =	sdelay $0x3  }
0x36: {  	p1 =	seq.s32 s10, $0x1;
	s10 =	sld [smem:$0x3FB8];
	_ =	sdelay $0x3  }
0x37: {  	[smem:$0x3FB8] =	sst s10  }
0x38: {  	s10 =	sld [smem:$0x3FB9]  }
0x39: {  	_ = 	snop;
	(pc) =	sbr.ind lr, $3  }
0x3a: {  	_ = 	snop  }
0x3b: {  	_ = 	snop  }
0x3c: {  	p2 =	seq.s32 s10, $0x1;
	s10 =	sld [smem:$0x3FB8]  }
0x3d: {  	_ =	shalt  }
0x3e: {  	_ =	shalt  }
0x3f: {  	_ =	shalt  }
0x40: {  	_ =	shalt  }
0x41: {  	_ =	shalt  }
0x42: {  	_ =	shalt  }
0x43: {  	_ =	shalt  }
0x44: {  	_ =	shalt  }
0x45: {  	_ =	shalt  }
0x46: {  	_ =	shalt  }
0x47: {  	_ =	shalt  }
0x48: {  	_ =	shalt  }
0x49: {  	_ =	shalt  }
0x4a: {  	_ =	shalt  }
0x4b: {  	_ =	shalt  }
0x4c: {  	_ =	shalt  }
0x4d: {  	_ =	shalt  }
0x4e: {  	_ =	shalt  }
0x4f: {  	_ =	shalt  }
0x50: {  	_ =	shalt  }
0x51: {  	_ =	shalt  }
0x52: {  	_ =	shalt  }
0x53: {  	_ =	shalt  }
0x54: {  	_ =	shalt  }
0x55: {  	_ =	shalt  }
0x56: {  	_ =	shalt  }
0x57: {  	_ =	shalt  }
0x58: {  	_ =	shalt  }
0x59: {  	_ =	shalt  }
0x5a: {  	_ =	shalt  }
0x5b: {  	_ =	shalt  }
0x5c: {  	_ =	shalt  }
0x5d: {  	_ =	shalt  }
0x5e: {  	_ =	shalt  }
0x5f: {  	_ =	shalt  }
0x60: {  	_ =	shalt  }
0x61: {  	_ =	shalt  }
0x62: {  	_ =	shalt  }
0x63: {  	_ =	shalt  }
0x64: {  	_ =	shalt  }
0x65: {  	_ =	shalt  }
0x66: {  	_ =	shalt  }
0x67: {  	_ =	shalt  }
0x68: {  	_ =	shalt  }
0x69: {  	_ =	shalt  }
0x6a: {  	_ =	shalt  }
0x6b: {  	_ =	shalt  }
0x6c: {  	_ =	shalt  }
0x6d: {  	_ =	shalt  }
0x6e: {  	_ =	shalt  }
0x6f: {  	_ =	shalt  }
0x70: {  	_ =	shalt  }
0x71: {  	_ =	shalt  }
0x72: {  	_ =	shalt  }
0x73: {  	_ =	shalt  }
0x74: {  	_ =	shalt  }
0x75: {  	_ =	shalt  }
0x76: {  	_ =	shalt  }
0x77: {  	_ =	shalt  }
0x78: {  	_ =	shalt  }
0x79: {  	_ =	shalt  }
0x7a: {  	_ =	shalt  }
0x7b: {  	_ =	shalt  }
0x7c: {  	_ =	shalt  }
0x7d: {  	_ =	shalt  }
0x7e: {  	_ =	shalt  }
0x7f: {  	_ =	shalt  }
0x80: {  	_ =	shalt  }
0x81: {  	_ =	shalt  }
0x82: {  	_ =	shalt  }
0x83: {  	_ =	shalt  }
0x84: {  	_ =	shalt  }
0x85: {  	_ =	shalt  }
0x86: {  	_ =	shalt  }
0x87: {  	_ =	shalt  }
.Lfunc_end0:
.L_simem_size_0:
called_computation_lowered:
.L_overlay_start_0:
0x88: {  	s2 =	sld [smem:$0x3FD9]  }
0x89: {  	s3 =	sld [smem:$0x3FFE];
	_ =	sdelay $0x1  }
0x8a: {  	s1 =	srdreg.scid  }
0x8b: {  	s0 =	sand.u32 $0x1, s1  }
0x8c: {  	s16 =	sshll.u32 s0, $0xA;
	s2 =	sadd.s32 s3, s2  }
0x8d: {  	s2 =	sadd.s32 s2, s16  }
0x8e: {  	[smem:$0x3FC4] =	sst s2  }
0x8f: {  	_ = 	snop  }
0x90: {  	(tm) =	ssettm $0x1  }
0x91: {  	s17 =	sld [smem:$0x3FFB];
	_ =	sdelay $0x3  }
0x92: {  	_ =	strace s17  }
0x93: {  	s2 =	sld [smem:$0x3FFC];
	_ =	sdelay $0x3  }
0x94: {  	_ =	strace s2  }
0x95: {  	s2 =	sld [smem:$0x3FFD];
	_ =	sdelay $0x3  }
0x96: {  	_ =	strace s2  }
0x97: {  	_ =	strace $0x8FFFFFFF  }
0x98: {  	s18 =	sld [smem:$0x3FDB];
	_ =	sdelay $0x1  }
0x99: {  	s19 =	simm.s32 $_scs_section_size  }
0x9a: {  	s4 =	simm.s32 $_size__tile_overlayer_lowered;
	s5 =	simm.s32 $_tile_overlayer_lowered  }
0x9b: {  	s22 =	simm.s32 $0x1BFF;
	s21 =	sshll.u32 s5, $0x1;
	s2 =	sadd.s32 s19, s18  }
0x9c: {  	s6 =	simm.s32 $0x0;
	s20 =	sshll.u32 s4, $0x1;
	s4 =	sadd.s32 s21, s2  }
0x9d: {  	[timem:s6], [sflag:s22] =	dma.local [hbm:s4], s20  }
0x9e: {  	_ =	swait.ge [sflag:s22], s20  }
0x9f: {  	s3 =	ssub.s32 $0x0, s20;
	[sflag:s22] =	ssyncset.done $0x0  }
0xa0: {  	[sflag:s22] =	ssyncadd.s32 s3;
	_ =	sdelay $0x1  }
0xa1: {  	s23 =	simm.s32 $0x1B8B  }
0xa2: {  	_ =	swait.ge [sflag:s23], $0x1  }
0xa3: {  	[sflag:s23] =	ssyncset.done $0x0  }
0xa4: {  	s25 =	simm.s32 $0x1B8E;
	s24 =	sld [smem:$0x3FFE];
	[sflag:s23] =	ssyncadd.s32 $0xFFFFFFFF  }
0xa5: {  	s26 =	simm.s32 $execute0_lowered;
	[smem:$0x3FD2] =	sst s25  }
0xa6: {  	s4 =	sshll.u32 s26, $0x1;
	_ =	strace $0x80000046;
	[dreg:$0x1] =	wrdreg $0xFFFFFFFF  }
0xa7: {  	s28 =	simm.s32 $_size_execute0_lowered;
	s2 =	sadd.s32 s2, s4;
	[dreg:$0x0] =	wrdreg $0x0  }
0xa8: {  	s4 =	sshll.u32 s28, $0x1;
	[dreg:$0x2] =	wrdreg s2  }
0xa9: {  	[dreg:$0x3] =	wrdreg s4  }
0xaa: {  	[dreg:$0x4] =	wrdreg $0xC0  }
0xab: {  	_ =	task [dreg:s6], $0x5FFFF  }
0xac: {  	[dreg:$0x1] =	wrdreg $0xFFFFFFFF  }
0xad: {  	[dreg:$0x0] =	wrdreg $0x60  }
0xae: {  	[dreg:$0x2] =	wrdreg s24  }
0xaf: {  	[dreg:$0x3] =	wrdreg $0x9  }
0xb0: {  	_ =	task.clear_ibuf [dreg:s6], $0x4FFFF;
	_ =	strace $0x90000046  }
0xb1: {  	s29 =	simm.s32 $0x9;
	_ =	strace $0x80000048  }
0xb2: {  	_ =	swait.ge [sflag:s29], $0x1  }
0xb3: {  	[sflag:s29] =	ssyncadd.s32 $0xFFFFFFFF  }
0xb4: {  	_ =	strace $0x90000048  }
0xb5: {  	_ =	sfence  }
0xb6: {  	s30 =	sld [smem:$0x0];
	_ =	sdelay $0x2  }
0xb7: {  	s31 =	sshll.u32 s1, $0xD;
	s1 =	sshrl.u32 s1, $0x2  }
0xb8: {  	s3 =	sand.u32 $0x4000, s31;
	s1 =	sadd.s32 s1, s30  }
0xb9: {  	s0 =	sor.u32 s3, s0;
	s1 =	sshll.u32 s1, $0x11  }
0xba: {  	s0 =	sor.u32 s1, s0  }
0xbb: {  	s0 =	sadd.s32 $0x8F2B, s0  }
0xbc: {  	[sflag:s0] =	ssyncadd.remote.s32 $0x1  }
0xbd: {  	_ =	sfence.sel $0xFFFF  }
0xbe: {  	[dreg:$0x0] =	wrdreg $0xFFFFFFFF;
	(pc) =	sbr.abs _section_cstart, $3  }
0xbf: {  	[dreg:$0x1] =	wrdreg $0xFFFFFFFF  }
0xc0: {  	_ =	task.clear_ibuf [dreg:s6], $0x2FFFF;
	_ =	strace $0x9FFFFFFF  }
0xc1: {  	(tm) =	ssettm $0x7FFFFFFF  }
tec
execute0_lowered:
.L_overlay_start_1:
0x0: {  	(tag) =	ssettag $0x1  }
0x1: {  	s1 =	srdreg.scid;
	s0 =	stileid.u32  }
0x2: {  	s6 =	sand.u32 $0x1, s1;
	s30 =	sshll.u32 s0, $0x1  }
0x3: {  	s9 =	rddreg [dreg:$0x0];
	s7 =	sor.u32 s6, s30  }
0x4: {  	s2 =	simm.s32 $0x0;
	s1 =	rddreg [dreg:$0x1];
	s3 =	smul.u32 $0x32, s7  }
0x5: {  	s8 =	simm.s32 $0x1;
	[smem:$0x7FF] =	sst s2;
	s5 =	sadd.s32 $0xE00, s9  }
0x6: {  	_ =	strace $0x80000047;
	s11 =	ssub.s32 $0x2, s6;
	s3 =	sadd.s32 s3, s9  }
0x7: {  	s6 =	simm.s32 $0x190;
	s4 =	sadd.s32 $0x600, s3;
	s3 =	simm.s32 $0x2  }
0x8: {  	[tilespmem:s2], [sflag:$0x2] =	stream.linear.gather [hbm4b:s4+s2], $0x190, $0x38;
	[tilespmem:$0xCA00] =	vst v63  }
0x9: {  	s10 =	smul.u32 $0x1900, s7;
	s12 =	sshrl.u32 s11, $0x1;
	_ =	swait.ge [sflag:s3], $0x190  }
0xa: {  	s7 =	simm.s32 $0x200;
	s31 =	ssub.s32 s11, s12;
	[sflag:s3] =	ssyncset.done $0x0  }
0xb: {  	s9 =	sadd.s32 s10, s9;
	s10 =	smax.u32 s31, $0x1;
	[sflag:s3] =	ssyncadd.s32 $0xFFFFFE70  }
0xc: {  	[tilespmem:s7], [sflag:$0x1] =	stream.indirect.gather [hbm4b:s5+s6], $0x80, s2, s6, $0xb8;
	[tilespmem:$0xCA00] =	vst v63  }
0xd: {  	p0 =	sne.s32 s10, $0x1;
	_ =	swait.ge [sflag:s8], $0xC800  }
.Ltmp0:
0xe: {  	[sflag:s8] =	ssyncset.done $0x0;
	(pc) =	sbr.rel @!p0 .LBB2_2-.Ltmp0, $4  }
0xf: {  	s9 =	sadd.s32 $0x28000, s9;
	[sflag:s8] =	ssyncadd.s32 $0xFFFF3800  }
0x10: {  	[hbm4b:s9+s2] =	stream.linear.scatter [tilespmem:s7], [sflag:$0x2], $0xC800, $0x38;
	[tilespmem:$0xCA00] =	vst v63  }
0x11: {  	_ =	swait.ge [sflag:s3], $0xC800  }
0x12: {  	s10 =	sadd.s32 $0xFFFFFFFF, s10;
	[sflag:s3] =	ssyncset.done $0x0  }
.LBB2_1:
0x13: {  	p0 =	sne.s32 s10, $0x1;
	s10 =	sadd.s32 $0xFFFFFFFF, s10;
	[sflag:s3] =	ssyncadd.s32 $0xFFFF3800  }
0x14: {  	[tilespmem:s2], [sflag:$0x2] =	stream.linear.gather [hbm4b:s4+s2], $0x190, $0x38;
	[tilespmem:$0xCA00] =	vst v63  }
0x15: {  	_ =	swait.ge [sflag:s3], $0x190  }
0x16: {  	[sflag:s3] =	ssyncset.done $0x0  }
0x17: {  	[sflag:s3] =	ssyncadd.s32 $0xFFFFFE70  }
0x18: {  	[tilespmem:s7], [sflag:$0x1] =	stream.indirect.gather [hbm4b:s5+s6], $0x80, s2, s6, $0xb8;
	[tilespmem:$0xCA00] =	vst v63  }
0x19: {  	_ =	swait.ge [sflag:s8], $0xC800  }
.Ltmp1:
0x1a: {  	[sflag:s8] =	ssyncset.done $0x0;
	(pc) =	sbr.rel @p0 .LBB2_1-.Ltmp1, $4  }
0x1b: {  	[sflag:s8] =	ssyncadd.s32 $0xFFFF3800  }
0x1c: {  	[hbm4b:s9+s2] =	stream.linear.scatter [tilespmem:s7], [sflag:$0x2], $0xC800, $0x38;
	[tilespmem:$0xCA00] =	vst v63  }
0x1d: {  	_ =	swait.ge [sflag:s3], $0xC800  }
0x1e: {  	[sflag:s3] =	ssyncset.done $0x0  }
.LBB2_2:
0x1f: {  	[sflag:s3] =	ssyncadd.s32 $0xFFFF3800  }
0x20: {  	_ =	sfence.sel $0x180000  }
0x21: {  	[bflag:$0x0] =	sbarrier.arrive $0xFFFF  }
0x22: {  	p0 =	sne.s32 s0, $0x0;
	_ =	strace $0x90000047  }
0x23: {  	s0 =	sadd.s32 @!p0 $0x100000, s1;
	[bflag:$0x2] =	sbarrier.arrive $0xFFFF  }
0x24: {  	[sflag:s0] =	ssyncadd.tile.s32 @!p0 $0x1;
	_ =	shalt  }
.Lfunc_end2:
_tile_overlayer_lowered:
.L_overlay_start_2:
0x25: {  	(tag) =	ssettag $0x2  }
0x26: {  	s0 =	rddreg [dreg:$0x0];
	s2 =	stileid.u32  }
0x27: {  	s1 =	rddreg [dreg:$0x1];
	p0 =	sne.s32 s2, $0x0  }
0x28: {  	s3 =	rddreg [dreg:$0x2];
	[bflag:$0x3] =	sbarrier.arrive $0xFFFF;
	s2 =	simm.s32 @!p0 $0x1C02  }
0x29: {  	[timem:s3], [sflag:s2] =	dma.local @!p0 [hbm:s0], s1  }
0x2a: {  	s0 =	simm.s32 @!p0 $0x2  }
0x2b: {  	_ =	swait.ge @!p0 [sflag:s0], s1  }
0x2c: {  	s1 =	ssub.s32 @!p0 $0x0, s1;
	[sflag:s0] =	ssyncset.done @!p0 $0x0  }
0x2d: {  	[sflag:s0] =	ssyncadd.s32 @!p0 s1  }
0x2e: {  	[bflag:$0x3] =	sbarrier.arrive $0xFFFF  }
0x2f: {  	_ =	shalt  }

</sc_bundles>
